<compile_context>
chip_gen: v7x
topology: tpu7x:2x2x1
jax: 0.10.2.dev20260603
libtpu: 0.0.44.dev20260713+nightly
codegen_flags: <defaults>
</compile_context>

<pallas_src>
import functools

import jax
import jax.numpy as jnp
import numpy as np
from jax import lax
from jax.experimental import pallas as pl
from jax.experimental.pallas import tpu as pltpu
from jax.experimental.pallas import tpu_sc as plsc

N = 10000
E = 320000
F = 128
H = 8
C = 16

NC = 2
NS = 16
NW = NC * NS
EPT = E // NW
K = 80
NCH = EPT // K
NP = 10240
RPT = NP // NS
RB = 128

_G_NP = np.kron(np.eye(H), np.ones((C, 1))).astype(np.float32)
_R_NP = np.eye(H)[::-1].astype(np.float32).copy()


def _leaky(v):
    return jnp.where(v >= 0, v, v * jnp.float32(0.2))


def _pre_body(x_ref, w_ref, asf_ref, adf_ref, g_ref, r_ref,
              h_ref, a_ref, b_ref, es_ref):
    h = jnp.dot(x_ref[...], w_ref[...], preferred_element_type=jnp.float32)
    h_ref[...] = h
    g = g_ref[...]
    asrc = jnp.dot(h * asf_ref[...], g, preferred_element_type=jnp.float32)
    adst = jnp.dot(h * adf_ref[...], g, preferred_element_type=jnp.float32)
    gmax = jnp.max(asrc, axis=0, keepdims=True)
    shift = _leaky(gmax + adst)
    shrev = jnp.dot(shift, r_ref[...], preferred_element_type=jnp.float32)
    a_ref[...] = jnp.concatenate([asrc, asrc], axis=1)
    b_ref[...] = jnp.concatenate([adst, shrev], axis=1)
    es_ref[...] = jnp.exp(_leaky(asrc + adst) - shift)


_pre = pl.pallas_call(
    _pre_body,
    out_shape=[
        jax.ShapeDtypeStruct((N, F), jnp.float32),
        jax.ShapeDtypeStruct((N, 2 * H), jnp.float32),
        jax.ShapeDtypeStruct((N, 2 * H), jnp.float32),
        jax.ShapeDtypeStruct((N, H), jnp.float32),
    ],
)


_mesh = plsc.VectorSubcoreMesh(core_axis_name="c", subcore_axis_name="s")


@functools.partial(
    pl.kernel,
    out_type=[
        jax.ShapeDtypeStruct((NC, NP, F), jnp.float32),
        jax.ShapeDtypeStruct((NC, NP, C), jnp.float32),
    ],
    mesh=_mesh,
    compiler_params=pltpu.CompilerParams(use_tc_tiling_on_sc=False),
    scratch_types=[
        pltpu.VMEM((K,), jnp.int32),
        pltpu.VMEM((K,), jnp.int32),
        pltpu.VMEM((K, 16), jnp.float32),
        pltpu.VMEM((K, 16), jnp.float32),
        pltpu.VMEM((K, F), jnp.float32),
        pltpu.VMEM((K, 16), jnp.float32),
        pltpu.VMEM((RB, F), jnp.float32),
        pltpu.VMEM((RB, 16), jnp.float32),
        pltpu.VMEM_SHARED((NP, F), jnp.float32),
        pltpu.VMEM_SHARED((NP, C), jnp.float32),
        pltpu.SemaphoreType.DMA,
        pltpu.SemaphoreType.DMA,
        pltpu.SemaphoreType.DMA,
    ],
)
def _sweep(src_hbm, dst_hbm, h_hbm, a_hbm, b_hbm,
           num_hbm, den_hbm,
           sidx, didx, abuf, bbuf, hbuf, exbuf, stg, stg16,
           num_sh, den_sh, sem_a, sem_b, sem_h):
    c = lax.axis_index("c")
    s = lax.axis_index("s")
    wid = s * NC + c

    z16 = jnp.zeros((16,), jnp.float32)
    lmask = lax.iota(jnp.int32, 16) < H

    def _zero_row(r, carry):
        for j in range(F // 16):
            stg[r, pl.ds(16 * j, 16)] = z16
        stg16[r, :] = z16
        return carry

    lax.fori_loop(0, RB, _zero_row, 0)
    for b in range(RPT // RB):
        r0 = s * RPT + b * RB
        pltpu.sync_copy(stg, num_sh.at[pl.ds(r0, RB)])
        pltpu.sync_copy(stg16, den_sh.at[pl.ds(r0, RB)])
    plsc.subcore_barrier()

    def _chunk(ci, carry):
        pltpu.sync_copy(src_hbm.at[wid, ci], sidx)
        pltpu.sync_copy(dst_hbm.at[wid, ci], didx)
        ca = pltpu.async_copy(a_hbm.at[sidx], abuf, sem_a)
        cb = pltpu.async_copy(b_hbm.at[didx], bbuf, sem_b)
        ch = pltpu.async_copy(h_hbm.at[sidx], hbuf, sem_h)
        ca.wait()
        cb.wait()
        ch.wait()

        def _edge(k, carry2):
            av = abuf[k, :]
            bv = bbuf[k, :]
            sv = av + bv
            lr = jnp.where(sv >= 0, sv, sv * jnp.float32(0.2))
            shv = jnp.flip(bv, 0)
            exv = jnp.exp(lr - shv)
            exm = jnp.where(lmask, exv, jnp.float32(0.0))
            exbuf[k, :] = exm
            for j in range(H):
                hv = hbuf[k, pl.ds(C * j, 16)]
                hbuf[k, pl.ds(C * j, 16)] = hv * exm[j]
            return carry2

        lax.fori_loop(0, K, _edge, 0)
        pltpu.sync_copy(exbuf, den_sh.at[didx], add=True)
        pltpu.sync_copy(hbuf, num_sh.at[didx], add=True)
        return carry

    lax.fori_loop(0, NCH, _chunk, 0)
    plsc.subcore_barrier()

    for b in range(RPT // RB):
        r0 = s * RPT + b * RB
        pltpu.sync_copy(num_sh.at[pl.ds(r0, RB)], stg)
        pltpu.sync_copy(stg, num_hbm.at[c, pl.ds(r0, RB)])
        pltpu.sync_copy(den_sh.at[pl.ds(r0, RB)], stg16)
        pltpu.sync_copy(stg16, den_hbm.at[c, pl.ds(r0, RB)])


def _post_body(prev_ref, num_ref, den_ref, es_ref, h_ref, gt_ref,
               bias_ref, gamma_ref, beta_ref, out_ref):
    es = es_ref[...]
    gt = gt_ref[...]
    den8 = den_ref[0, :N, :H] + den_ref[1, :N, :H] + es
    den128 = jnp.dot(den8, gt, preferred_element_type=jnp.float32)
    exp128 = jnp.dot(es, gt, preferred_element_type=jnp.float32)
    numtot = num_ref[0, :N, :] + num_ref[1, :N, :] + exp128 * h_ref[...]
    y = prev_ref[...] + numtot / (den128 + jnp.float32(1e-16)) + bias_ref[...]
    mean = jnp.mean(y, axis=0, keepdims=True)
    var = jnp.mean(y * y, axis=0, keepdims=True) - mean * mean
    yn = (y - mean) * lax.rsqrt(var + jnp.float32(1e-5))
    out_ref[...] = jnp.maximum(yn * gamma_ref[...] + beta_ref[...],
                               jnp.float32(0.0))


_post = pl.pallas_call(
    _post_body,
    out_shape=jax.ShapeDtypeStruct((N, F), jnp.float32),
)


def kernel(prev, x, edge_index, W, att_src, att_dst, bias, gamma, beta):
    src3 = edge_index[0].reshape(NW, NCH, K)
    dst3 = edge_index[1].reshape(NW, NCH, K)
    g = jnp.asarray(_G_NP)
    r = jnp.asarray(_R_NP)
    h, A, B, es = _pre(x, W, att_src.reshape(1, F), att_dst.reshape(1, F),
                       g, r)
    num, den = _sweep(src3, dst3, h, A, B)
    return _post(prev, num, den, es, h, g.T,
                 bias.reshape(1, F), gamma.reshape(1, F), beta.reshape(1, F))

# --- scband reference (transcript-rebuilt; emitter-appended) ---
"""Pipeline reference for scband-gatblock-25907242729823 (READ-ONLY COPY).

The authoritative reference and input builder live on the scoring server;
editing this copy changes nothing except your own understanding.
"""

import jax, jax.numpy as jnp
import numpy as np

N = 10000
E = 320000
F = 128
H = 8
C = F // H  # 16


def setup_inputs(seed: int = 0) -> dict:
    key = jax.random.key(seed)
    ks = jax.random.split(key, 9)
    prev = jax.random.normal(ks[0], (N, F), dtype=jnp.float32)
    x = jax.random.normal(ks[1], (N, F), dtype=jnp.float32)
    edge_index = jax.random.randint(ks[2], (2, E), 0, N, dtype=jnp.int32)
    # GATConv parameters (lin has no bias; final bias of size H*C)
    W = jax.random.normal(ks[3], (F, H * C), dtype=jnp.float32) * (1.0 / np.sqrt(F))
    att_src = jax.random.normal(ks[4], (H, C), dtype=jnp.float32) * 0.1
    att_dst = jax.random.normal(ks[5], (H, C), dtype=jnp.float32) * 0.1
    bias = jnp.zeros((F,), dtype=jnp.float32)
    # BatchNorm1d affine params (training-mode normalization)
    gamma = jnp.ones((F,), dtype=jnp.float32)
    beta = jnp.zeros((F,), dtype=jnp.float32)
    return {"prev": prev, "x": x, "edge_index": edge_index, "W": W,
            "att_src": att_src, "att_dst": att_dst, "bias": bias,
            "gamma": gamma, "beta": beta}


def reference(prev, x, edge_index, W, att_src, att_dst, bias, gamma, beta):
    # --- GATConv(F, F//H, heads=H), concat=True, add_self_loops=True ---
    src = edge_index[0]
    dst = edge_index[1]
    # add self loops (PyG default)
    loop = jnp.arange(N, dtype=src.dtype)
    src = jnp.concatenate([src, loop], axis=0)
    dst = jnp.concatenate([dst, loop], axis=0)

    h = (x @ W).reshape(N, H, C)                      # [N, H, C]
    a_src = (h * att_src[None]).sum(-1)               # [N, H]
    a_dst = (h * att_dst[None]).sum(-1)               # [N, H]
    alpha = a_src[src] + a_dst[dst]                   # [E', H] gather
    alpha = jax.nn.leaky_relu(alpha, negative_slope=0.2)
    # segment softmax over edges grouped by destination node
    amax = jax.ops.segment_max(alpha, dst, num_segments=N)
    amax = jnp.where(jnp.isfinite(amax), amax, 0.0)
    ex = jnp.exp(alpha - amax[dst])
    denom = jax.ops.segment_sum(ex, dst, num_segments=N)
    alpha_n = ex / (denom[dst] + 1e-16)               # [E', H]
    msg = h[src] * alpha_n[:, :, None]                # [E', H, C] gather
    agg = jax.ops.segment_sum(msg, dst, num_segments=N)  # scatter-add
    att_out = agg.reshape(N, F) + bias                # concat heads + bias

    # --- prev + att; BatchNorm1d (training-mode batch stats); act ---
    y = prev + att_out
    mean = y.mean(axis=0)
    var = y.var(axis=0)  # biased variance, matches torch BN normalization
    y = (y - mean) / jnp.sqrt(var + 1e-5) * gamma + beta
    return jax.nn.relu(y)

if __name__ == "__main__":
    import jax
    _d = setup_inputs()
    print(jax.jit(kernel)(*tuple(_d.values())))

</pallas_src>

<mosaic_0001>
#map = affine_map<(d0, d1) -> (0, 0, 0)>
#map1 = affine_map<(d0, d1) -> (0, 0)>
module attributes {stable_mosaic.version = 14 : i64} {
  func.func @_sweep(%arg0: i32, %arg1: i32, %arg2: memref<32x125x80xi32, #tpu.memory_space<hbm>>, %arg3: memref<32x125x80xi32, #tpu.memory_space<hbm>>, %arg4: memref<10000x128xf32, #tpu.memory_space<hbm>>, %arg5: memref<10000x16xf32, #tpu.memory_space<hbm>>, %arg6: memref<10000x16xf32, #tpu.memory_space<hbm>>, %arg7: memref<2x10240x128xf32, #tpu.memory_space<hbm>>, %arg8: memref<2x10240x16xf32, #tpu.memory_space<hbm>>, %arg9: memref<80xi32, #tpu.memory_space<vmem>>, %arg10: memref<80xi32, #tpu.memory_space<vmem>>, %arg11: memref<80x16xf32, #tpu.memory_space<vmem>>, %arg12: memref<80x16xf32, #tpu.memory_space<vmem>>, %arg13: memref<80x128xf32, #tpu.memory_space<vmem>>, %arg14: memref<80x16xf32, #tpu.memory_space<vmem>>, %arg15: memref<128x128xf32, #tpu.memory_space<vmem>>, %arg16: memref<128x16xf32, #tpu.memory_space<vmem>>, %arg17: memref<10240x128xf32, #tpu.memory_space<vmem_shared>>, %arg18: memref<10240x16xf32, #tpu.memory_space<vmem_shared>>, %arg19: memref<!tpu.dma_semaphore, #tpu.memory_space<semaphore_mem>>, %arg20: memref<!tpu.dma_semaphore, #tpu.memory_space<semaphore_mem>>, %arg21: memref<!tpu.dma_semaphore, #tpu.memory_space<semaphore_mem>>) attributes {dimension_semantics = [#tpu.dimension_semantics<core_parallel>, #tpu.dimension_semantics<subcore_parallel>], iteration_bounds = array<i64: 2, 16>, scalar_prefetch = 0 : i64, scratch_operands = 13 : i64, tpu.core_type = #tpu.core_type<sc_vector_subcore>, window_params = [{transform_indices = #map}, {transform_indices = #map}, {transform_indices = #map1}, {transform_indices = #map1}, {transform_indices = #map1}, {transform_indices = #map}, {transform_indices = #map}]} {
    %mul3A = arith.constant 2 : i32
    %mul3A_0 = arith.muli %arg1, %mul3A : i32
    %add3A = arith.addi %mul3A_0, %arg0 : i32
    %broadcast_in_dim3A = arith.constant 0.000000e+00 : f32
    %broadcast_in_dim3A_1 = vector.broadcast %broadcast_in_dim3A : f32 to vector<16xf32>
    %iota3A = tpu.iota {dimensions = array<i32: 0>} : vector<16xi32>
    %lt3A = arith.constant 8 : i32
    %lt3A_2 = vector.broadcast %lt3A : i32 to vector<16xi32>
    %lt3A_3 = arith.cmpi slt, %iota3A, %lt3A_2 : vector<16xi32>
    %scan3A = arith.constant 0 : i32
    %scan3A_4 = arith.constant 0 : i32
    %scan3A_5 = arith.constant 128 : i32
    %scan3A_6 = arith.addi %scan3A_4, %scan3A_5 : i32
    %scan3A_7 = arith.constant 1 : i32
    scf.for %scan3A_56 = %scan3A_4 to %scan3A_6 step %scan3A_7  : i32 {
      %swap3A = arith.index_cast %scan3A_56 : i32 to index
      %swap3A_57 = arith.constant 0 : index
      %swap3A_58 = tpu.vector_load %arg15[%swap3A, %swap3A_57] {strides = array<i32>} : memref<128x128xf32, #tpu.memory_space<vmem>>, vector<1x16xf32>,
      %swap3A_59 = vector.shape_cast %swap3A_58 : vector<1x16xf32> to vector<16xf32>
      %swap3A_60 = vector.shape_cast %broadcast_in_dim3A_1 : vector<16xf32> to vector<1x16xf32>
      tpu.vector_store %arg15[%swap3A, %swap3A_57], %swap3A_60 {strides = array<i32>} : memref<128x128xf32, #tpu.memory_space<vmem>>, vector<1x16xf32>,
      %swap3A_61 = arith.index_cast %scan3A_56 : i32 to index
      %swap3A_62 = arith.constant 16 : index
      %swap3A_63 = tpu.vector_load %arg15[%swap3A_61, %swap3A_62] {strides = array<i32>} : memref<128x128xf32, #tpu.memory_space<vmem>>, vector<1x16xf32>,
      %swap3A_64 = vector.shape_cast %swap3A_63 : vector<1x16xf32> to vector<16xf32>
      %swap3A_65 = vector.shape_cast %broadcast_in_dim3A_1 : vector<16xf32> to vector<1x16xf32>
      tpu.vector_store %arg15[%swap3A_61, %swap3A_62], %swap3A_65 {strides = array<i32>} : memref<128x128xf32, #tpu.memory_space<vmem>>, vector<1x16xf32>,
      %swap3A_66 = arith.index_cast %scan3A_56 : i32 to index
      %swap3A_67 = arith.constant 32 : index
      %swap3A_68 = tpu.vector_load %arg15[%swap3A_66, %swap3A_67] {strides = array<i32>} : memref<128x128xf32, #tpu.memory_space<vmem>>, vector<1x16xf32>,
      %swap3A_69 = vector.shape_cast %swap3A_68 : vector<1x16xf32> to vector<16xf32>
      %swap3A_70 = vector.shape_cast %broadcast_in_dim3A_1 : vector<16xf32> to vector<1x16xf32>
      tpu.vector_store %arg15[%swap3A_66, %swap3A_67], %swap3A_70 {strides = array<i32>} : memref<128x128xf32, #tpu.memory_space<vmem>>, vector<1x16xf32>,
      %swap3A_71 = arith.index_cast %scan3A_56 : i32 to index
      %swap3A_72 = arith.constant 48 : index
      %swap3A_73 = tpu.vector_load %arg15[%swap3A_71, %swap3A_72] {strides = array<i32>} : memref<128x128xf32, #tpu.memory_space<vmem>>, vector<1x16xf32>,
      %swap3A_74 = vector.shape_cast %swap3A_73 : vector<1x16xf32> to vector<16xf32>
      %swap3A_75 = vector.shape_cast %broadcast_in_dim3A_1 : vector<16xf32> to vector<1x16xf32>
      tpu.vector_store %arg15[%swap3A_71, %swap3A_72], %swap3A_75 {strides = array<i32>} : memref<128x128xf32, #tpu.memory_space<vmem>>, vector<1x16xf32>,
      %swap3A_76 = arith.index_cast %scan3A_56 : i32 to index
      %swap3A_77 = arith.constant 64 : index
      %swap3A_78 = tpu.vector_load %arg15[%swap3A_76, %swap3A_77] {strides = array<i32>} : memref<128x128xf32, #tpu.memory_space<vmem>>, vector<1x16xf32>,
      %swap3A_79 = vector.shape_cast %swap3A_78 : vector<1x16xf32> to vector<16xf32>
      %swap3A_80 = vector.shape_cast %broadcast_in_dim3A_1 : vector<16xf32> to vector<1x16xf32>
      tpu.vector_store %arg15[%swap3A_76, %swap3A_77], %swap3A_80 {strides = array<i32>} : memref<128x128xf32, #tpu.memory_space<vmem>>, vector<1x16xf32>,
      %swap3A_81 = arith.index_cast %scan3A_56 : i32 to index
      %swap3A_82 = arith.constant 80 : index
      %swap3A_83 = tpu.vector_load %arg15[%swap3A_81, %swap3A_82] {strides = array<i32>} : memref<128x128xf32, #tpu.memory_space<vmem>>, vector<1x16xf32>,
      %swap3A_84 = vector.shape_cast %swap3A_83 : vector<1x16xf32> to vector<16xf32>
      %swap3A_85 = vector.shape_cast %broadcast_in_dim3A_1 : vector<16xf32> to vector<1x16xf32>
      tpu.vector_store %arg15[%swap3A_81, %swap3A_82], %swap3A_85 {strides = array<i32>} : memref<128x128xf32, #tpu.memory_space<vmem>>, vector<1x16xf32>,
      %swap3A_86 = arith.index_cast %scan3A_56 : i32 to index
      %swap3A_87 = arith.constant 96 : index
      %swap3A_88 = tpu.vector_load %arg15[%swap3A_86, %swap3A_87] {strides = array<i32>} : memref<128x128xf32, #tpu.memory_space<vmem>>, vector<1x16xf32>,
      %swap3A_89 = vector.shape_cast %swap3A_88 : vector<1x16xf32> to vector<16xf32>
      %swap3A_90 = vector.shape_cast %broadcast_in_dim3A_1 : vector<16xf32> to vector<1x16xf32>
      tpu.vector_store %arg15[%swap3A_86, %swap3A_87], %swap3A_90 {strides = array<i32>} : memref<128x128xf32, #tpu.memory_space<vmem>>, vector<1x16xf32>,
      %swap3A_91 = arith.index_cast %scan3A_56 : i32 to index
      %swap3A_92 = arith.constant 112 : index
      %swap3A_93 = tpu.vector_load %arg15[%swap3A_91, %swap3A_92] {strides = array<i32>} : memref<128x128xf32, #tpu.memory_space<vmem>>, vector<1x16xf32>,
      %swap3A_94 = vector.shape_cast %swap3A_93 : vector<1x16xf32> to vector<16xf32>
      %swap3A_95 = vector.shape_cast %broadcast_in_dim3A_1 : vector<16xf32> to vector<1x16xf32>
      tpu.vector_store %arg15[%swap3A_91, %swap3A_92], %swap3A_95 {strides = array<i32>} : memref<128x128xf32, #tpu.memory_space<vmem>>, vector<1x16xf32>,
      %swap3A_96 = arith.index_cast %scan3A_56 : i32 to index
      %swap3A_97 = arith.constant 0 : index
      %swap3A_98 = tpu.vector_load %arg16[%swap3A_96, %swap3A_97] {strides = array<i32>} : memref<128x16xf32, #tpu.memory_space<vmem>>, vector<1x16xf32>,
      %swap3A_99 = vector.shape_cast %swap3A_98 : vector<1x16xf32> to vector<16xf32>
      %swap3A_100 = vector.shape_cast %broadcast_in_dim3A_1 : vector<16xf32> to vector<1x16xf32>
      tpu.vector_store %arg16[%swap3A_96, %swap3A_97], %swap3A_100 {strides = array<i32>} : memref<128x16xf32, #tpu.memory_space<vmem>>, vector<1x16xf32>,
    }
    %scan3A_8 = arith.constant 128 : i32
    %mul3A_9 = arith.constant 640 : i32
    %mul3A_10 = arith.muli %arg1, %mul3A_9 : i32
    %add3A_11 = arith.constant 0 : i32
    %add3A_12 = arith.addi %mul3A_10, %add3A_11 : i32
    "tpu.region"() ({
      %run_scoped3A = tpu.sem_alloc : memref<!tpu.dma_semaphore, #tpu.memory_space<semaphore_mem>>
      %dma_start3A = arith.constant 0 : i32
      %dma_start3A_56 = tpu.memref_slice %arg17[%add3A_12, %dma_start3A] : memref<10240x128xf32, #tpu.memory_space<vmem_shared>> -> memref<128x128xf32, #tpu.memory_space<vmem_shared>>
      %dma_start3A_57 = arith.constant 0 : i32
      %dma_start3A_58 = tpu.memref_slice %arg17[%add3A_12, %dma_start3A_57] : memref<10240x128xf32, #tpu.memory_space<vmem_shared>> -> memref<128x128xf32, #tpu.memory_space<vmem_shared>>
      tpu.enqueue_dma source(%arg15 : memref<128x128xf32, #tpu.memory_space<vmem>>) target(%dma_start3A_58 : memref<128x128xf32, #tpu.memory_space<vmem_shared>>) target_semaphore(%run_scoped3A : memref<!tpu.dma_semaphore, #tpu.memory_space<semaphore_mem>>)
      %dma_wait3A = arith.constant 0 : i32
      %dma_wait3A_59 = tpu.memref_slice %arg17[%add3A_12, %dma_wait3A] : memref<10240x128xf32, #tpu.memory_space<vmem_shared>> -> memref<128x128xf32, #tpu.memory_space<vmem_shared>>
      %dma_wait3A_60 = arith.constant 0 : i32
      %dma_wait3A_61 = tpu.memref_slice %arg17[%add3A_12, %dma_wait3A_60] : memref<10240x128xf32, #tpu.memory_space<vmem_shared>> -> memref<128x128xf32, #tpu.memory_space<vmem_shared>>
      tpu.wait_dma2 semaphore(%run_scoped3A : memref<!tpu.dma_semaphore, #tpu.memory_space<semaphore_mem>>) src(%arg15 : memref<128x128xf32, #tpu.memory_space<vmem>>) dst(%dma_wait3A_61 : memref<128x128xf32, #tpu.memory_space<vmem_shared>>)
      tpu.yield
    }) : () -> ()
    "tpu.region"() ({
      %run_scoped3A = tpu.sem_alloc : memref<!tpu.dma_semaphore, #tpu.memory_space<semaphore_mem>>
      %dma_start3A = arith.constant 0 : i32
      %dma_start3A_56 = tpu.memref_slice %arg18[%add3A_12, %dma_start3A] : memref<10240x16xf32, #tpu.memory_space<vmem_shared>> -> memref<128x16xf32, #tpu.memory_space<vmem_shared>>
      %dma_start3A_57 = arith.constant 0 : i32
      %dma_start3A_58 = tpu.memref_slice %arg18[%add3A_12, %dma_start3A_57] : memref<10240x16xf32, #tpu.memory_space<vmem_shared>> -> memref<128x16xf32, #tpu.memory_space<vmem_shared>>
      tpu.enqueue_dma source(%arg16 : memref<128x16xf32, #tpu.memory_space<vmem>>) target(%dma_start3A_58 : memref<128x16xf32, #tpu.memory_space<vmem_shared>>) target_semaphore(%run_scoped3A : memref<!tpu.dma_semaphore, #tpu.memory_space<semaphore_mem>>)
      %dma_wait3A = arith.constant 0 : i32
      %dma_wait3A_59 = tpu.memref_slice %arg18[%add3A_12, %dma_wait3A] : memref<10240x16xf32, #tpu.memory_space<vmem_shared>> -> memref<128x16xf32, #tpu.memory_space<vmem_shared>>
      %dma_wait3A_60 = arith.constant 0 : i32
      %dma_wait3A_61 = tpu.memref_slice %arg18[%add3A_12, %dma_wait3A_60] : memref<10240x16xf32, #tpu.memory_space<vmem_shared>> -> memref<128x16xf32, #tpu.memory_space<vmem_shared>>
      tpu.wait_dma2 semaphore(%run_scoped3A : memref<!tpu.dma_semaphore, #tpu.memory_space<semaphore_mem>>) src(%arg16 : memref<128x16xf32, #tpu.memory_space<vmem>>) dst(%dma_wait3A_61 : memref<128x16xf32, #tpu.memory_space<vmem_shared>>)
      tpu.yield
    }) : () -> ()
    %mul3A_13 = arith.constant 640 : i32
    %mul3A_14 = arith.muli %arg1, %mul3A_13 : i32
    %add3A_15 = arith.constant 128 : i32
    %add3A_16 = arith.addi %mul3A_14, %add3A_15 : i32
    "tpu.region"() ({
      %run_scoped3A = tpu.sem_alloc : memref<!tpu.dma_semaphore, #tpu.memory_space<semaphore_mem>>
      %dma_start3A = arith.constant 0 : i32
      %dma_start3A_56 = tpu.memref_slice %arg17[%add3A_16, %dma_start3A] : memref<10240x128xf32, #tpu.memory_space<vmem_shared>> -> memref<128x128xf32, #tpu.memory_space<vmem_shared>>
      %dma_start3A_57 = arith.constant 0 : i32
      %dma_start3A_58 = tpu.memref_slice %arg17[%add3A_16, %dma_start3A_57] : memref<10240x128xf32, #tpu.memory_space<vmem_shared>> -> memref<128x128xf32, #tpu.memory_space<vmem_shared>>
      tpu.enqueue_dma source(%arg15 : memref<128x128xf32, #tpu.memory_space<vmem>>) target(%dma_start3A_58 : memref<128x128xf32, #tpu.memory_space<vmem_shared>>) target_semaphore(%run_scoped3A : memref<!tpu.dma_semaphore, #tpu.memory_space<semaphore_mem>>)
      %dma_wait3A = arith.constant 0 : i32
      %dma_wait3A_59 = tpu.memref_slice %arg17[%add3A_16, %dma_wait3A] : memref<10240x128xf32, #tpu.memory_space<vmem_shared>> -> memref<128x128xf32, #tpu.memory_space<vmem_shared>>
      %dma_wait3A_60 = arith.constant 0 : i32
      %dma_wait3A_61 = tpu.memref_slice %arg17[%add3A_16, %dma_wait3A_60] : memref<10240x128xf32, #tpu.memory_space<vmem_shared>> -> memref<128x128xf32, #tpu.memory_space<vmem_shared>>
      tpu.wait_dma2 semaphore(%run_scoped3A : memref<!tpu.dma_semaphore, #tpu.memory_space<semaphore_mem>>) src(%arg15 : memref<128x128xf32, #tpu.memory_space<vmem>>) dst(%dma_wait3A_61 : memref<128x128xf32, #tpu.memory_space<vmem_shared>>)
      tpu.yield
    }) : () -> ()
    "tpu.region"() ({
      %run_scoped3A = tpu.sem_alloc : memref<!tpu.dma_semaphore, #tpu.memory_space<semaphore_mem>>
      %dma_start3A = arith.constant 0 : i32
      %dma_start3A_56 = tpu.memref_slice %arg18[%add3A_16, %dma_start3A] : memref<10240x16xf32, #tpu.memory_space<vmem_shared>> -> memref<128x16xf32, #tpu.memory_space<vmem_shared>>
      %dma_start3A_57 = arith.constant 0 : i32
      %dma_start3A_58 = tpu.memref_slice %arg18[%add3A_16, %dma_start3A_57] : memref<10240x16xf32, #tpu.memory_space<vmem_shared>> -> memref<128x16xf32, #tpu.memory_space<vmem_shared>>
      tpu.enqueue_dma source(%arg16 : memref<128x16xf32, #tpu.memory_space<vmem>>) target(%dma_start3A_58 : memref<128x16xf32, #tpu.memory_space<vmem_shared>>) target_semaphore(%run_scoped3A : memref<!tpu.dma_semaphore, #tpu.memory_space<semaphore_mem>>)
      %dma_wait3A = arith.constant 0 : i32
      %dma_wait3A_59 = tpu.memref_slice %arg18[%add3A_16, %dma_wait3A] : memref<10240x16xf32, #tpu.memory_space<vmem_shared>> -> memref<128x16xf32, #tpu.memory_space<vmem_shared>>
      %dma_wait3A_60 = arith.constant 0 : i32
      %dma_wait3A_61 = tpu.memref_slice %arg18[%add3A_16, %dma_wait3A_60] : memref<10240x16xf32, #tpu.memory_space<vmem_shared>> -> memref<128x16xf32, #tpu.memory_space<vmem_shared>>
      tpu.wait_dma2 semaphore(%run_scoped3A : memref<!tpu.dma_semaphore, #tpu.memory_space<semaphore_mem>>) src(%arg16 : memref<128x16xf32, #tpu.memory_space<vmem>>) dst(%dma_wait3A_61 : memref<128x16xf32, #tpu.memory_space<vmem_shared>>)
      tpu.yield
    }) : () -> ()
    %mul3A_17 = arith.constant 640 : i32
    %mul3A_18 = arith.muli %arg1, %mul3A_17 : i32
    %add3A_19 = arith.constant 256 : i32
    %add3A_20 = arith.addi %mul3A_18, %add3A_19 : i32
    "tpu.region"() ({
      %run_scoped3A = tpu.sem_alloc : memref<!tpu.dma_semaphore, #tpu.memory_space<semaphore_mem>>
      %dma_start3A = arith.constant 0 : i32
      %dma_start3A_56 = tpu.memref_slice %arg17[%add3A_20, %dma_start3A] : memref<10240x128xf32, #tpu.memory_space<vmem_shared>> -> memref<128x128xf32, #tpu.memory_space<vmem_shared>>
      %dma_start3A_57 = arith.constant 0 : i32
      %dma_start3A_58 = tpu.memref_slice %arg17[%add3A_20, %dma_start3A_57] : memref<10240x128xf32, #tpu.memory_space<vmem_shared>> -> memref<128x128xf32, #tpu.memory_space<vmem_shared>>
      tpu.enqueue_dma source(%arg15 : memref<128x128xf32, #tpu.memory_space<vmem>>) target(%dma_start3A_58 : memref<128x128xf32, #tpu.memory_space<vmem_shared>>) target_semaphore(%run_scoped3A : memref<!tpu.dma_semaphore, #tpu.memory_space<semaphore_mem>>)
      %dma_wait3A = arith.constant 0 : i32
      %dma_wait3A_59 = tpu.memref_slice %arg17[%add3A_20, %dma_wait3A] : memref<10240x128xf32, #tpu.memory_space<vmem_shared>> -> memref<128x128xf32, #tpu.memory_space<vmem_shared>>
      %dma_wait3A_60 = arith.constant 0 : i32
      %dma_wait3A_61 = tpu.memref_slice %arg17[%add3A_20, %dma_wait3A_60] : memref<10240x128xf32, #tpu.memory_space<vmem_shared>> -> memref<128x128xf32, #tpu.memory_space<vmem_shared>>
      tpu.wait_dma2 semaphore(%run_scoped3A : memref<!tpu.dma_semaphore, #tpu.memory_space<semaphore_mem>>) src(%arg15 : memref<128x128xf32, #tpu.memory_space<vmem>>) dst(%dma_wait3A_61 : memref<128x128xf32, #tpu.memory_space<vmem_shared>>)
      tpu.yield
    }) : () -> ()
    "tpu.region"() ({
      %run_scoped3A = tpu.sem_alloc : memref<!tpu.dma_semaphore, #tpu.memory_space<semaphore_mem>>
      %dma_start3A = arith.constant 0 : i32
      %dma_start3A_56 = tpu.memref_slice %arg18[%add3A_20, %dma_start3A] : memref<10240x16xf32, #tpu.memory_space<vmem_shared>> -> memref<128x16xf32, #tpu.memory_space<vmem_shared>>
      %dma_start3A_57 = arith.constant 0 : i32
      %dma_start3A_58 = tpu.memref_slice %arg18[%add3A_20, %dma_start3A_57] : memref<10240x16xf32, #tpu.memory_space<vmem_shared>> -> memref<128x16xf32, #tpu.memory_space<vmem_shared>>
      tpu.enqueue_dma source(%arg16 : memref<128x16xf32, #tpu.memory_space<vmem>>) target(%dma_start3A_58 : memref<128x16xf32, #tpu.memory_space<vmem_shared>>) target_semaphore(%run_scoped3A : memref<!tpu.dma_semaphore, #tpu.memory_space<semaphore_mem>>)
      %dma_wait3A = arith.constant 0 : i32
      %dma_wait3A_59 = tpu.memref_slice %arg18[%add3A_20, %dma_wait3A] : memref<10240x16xf32, #tpu.memory_space<vmem_shared>> -> memref<128x16xf32, #tpu.memory_space<vmem_shared>>
      %dma_wait3A_60 = arith.constant 0 : i32
      %dma_wait3A_61 = tpu.memref_slice %arg18[%add3A_20, %dma_wait3A_60] : memref<10240x16xf32, #tpu.memory_space<vmem_shared>> -> memref<128x16xf32, #tpu.memory_space<vmem_shared>>
      tpu.wait_dma2 semaphore(%run_scoped3A : memref<!tpu.dma_semaphore, #tpu.memory_space<semaphore_mem>>) src(%arg16 : memref<128x16xf32, #tpu.memory_space<vmem>>) dst(%dma_wait3A_61 : memref<128x16xf32, #tpu.memory_space<vmem_shared>>)
      tpu.yield
    }) : () -> ()
    %mul3A_21 = arith.constant 640 : i32
    %mul3A_22 = arith.muli %arg1, %mul3A_21 : i32
    %add3A_23 = arith.constant 384 : i32
    %add3A_24 = arith.addi %mul3A_22, %add3A_23 : i32
    "tpu.region"() ({
      %run_scoped3A = tpu.sem_alloc : memref<!tpu.dma_semaphore, #tpu.memory_space<semaphore_mem>>
      %dma_start3A = arith.constant 0 : i32
      %dma_start3A_56 = tpu.memref_slice %arg17[%add3A_24, %dma_start3A] : memref<10240x128xf32, #tpu.memory_space<vmem_shared>> -> memref<128x128xf32, #tpu.memory_space<vmem_shared>>
      %dma_start3A_57 = arith.constant 0 : i32
      %dma_start3A_58 = tpu.memref_slice %arg17[%add3A_24, %dma_start3A_57] : memref<10240x128xf32, #tpu.memory_space<vmem_shared>> -> memref<128x128xf32, #tpu.memory_space<vmem_shared>>
      tpu.enqueue_dma source(%arg15 : memref<128x128xf32, #tpu.memory_space<vmem>>) target(%dma_start3A_58 : memref<128x128xf32, #tpu.memory_space<vmem_shared>>) target_semaphore(%run_scoped3A : memref<!tpu.dma_semaphore, #tpu.memory_space<semaphore_mem>>)
      %dma_wait3A = arith.constant 0 : i32
      %dma_wait3A_59 = tpu.memref_slice %arg17[%add3A_24, %dma_wait3A] : memref<10240x128xf32, #tpu.memory_space<vmem_shared>> -> memref<128x128xf32, #tpu.memory_space<vmem_shared>>
      %dma_wait3A_60 = arith.constant 0 : i32
      %dma_wait3A_61 = tpu.memref_slice %arg17[%add3A_24, %dma_wait3A_60] : memref<10240x128xf32, #tpu.memory_space<vmem_shared>> -> memref<128x128xf32, #tpu.memory_space<vmem_shared>>
      tpu.wait_dma2 semaphore(%run_scoped3A : memref<!tpu.dma_semaphore, #tpu.memory_space<semaphore_mem>>) src(%arg15 : memref<128x128xf32, #tpu.memory_space<vmem>>) dst(%dma_wait3A_61 : memref<128x128xf32, #tpu.memory_space<vmem_shared>>)
      tpu.yield
    }) : () -> ()
    "tpu.region"() ({
      %run_scoped3A = tpu.sem_alloc : memref<!tpu.dma_semaphore, #tpu.memory_space<semaphore_mem>>
      %dma_start3A = arith.constant 0 : i32
      %dma_start3A_56 = tpu.memref_slice %arg18[%add3A_24, %dma_start3A] : memref<10240x16xf32, #tpu.memory_space<vmem_shared>> -> memref<128x16xf32, #tpu.memory_space<vmem_shared>>
      %dma_start3A_57 = arith.constant 0 : i32
      %dma_start3A_58 = tpu.memref_slice %arg18[%add3A_24, %dma_start3A_57] : memref<10240x16xf32, #tpu.memory_space<vmem_shared>> -> memref<128x16xf32, #tpu.memory_space<vmem_shared>>
      tpu.enqueue_dma source(%arg16 : memref<128x16xf32, #tpu.memory_space<vmem>>) target(%dma_start3A_58 : memref<128x16xf32, #tpu.memory_space<vmem_shared>>) target_semaphore(%run_scoped3A : memref<!tpu.dma_semaphore, #tpu.memory_space<semaphore_mem>>)
      %dma_wait3A = arith.constant 0 : i32
      %dma_wait3A_59 = tpu.memref_slice %arg18[%add3A_24, %dma_wait3A] : memref<10240x16xf32, #tpu.memory_space<vmem_shared>> -> memref<128x16xf32, #tpu.memory_space<vmem_shared>>
      %dma_wait3A_60 = arith.constant 0 : i32
      %dma_wait3A_61 = tpu.memref_slice %arg18[%add3A_24, %dma_wait3A_60] : memref<10240x16xf32, #tpu.memory_space<vmem_shared>> -> memref<128x16xf32, #tpu.memory_space<vmem_shared>>
      tpu.wait_dma2 semaphore(%run_scoped3A : memref<!tpu.dma_semaphore, #tpu.memory_space<semaphore_mem>>) src(%arg16 : memref<128x16xf32, #tpu.memory_space<vmem>>) dst(%dma_wait3A_61 : memref<128x16xf32, #tpu.memory_space<vmem_shared>>)
      tpu.yield
    }) : () -> ()
    %mul3A_25 = arith.constant 640 : i32
    %mul3A_26 = arith.muli %arg1, %mul3A_25 : i32
    %add3A_27 = arith.constant 512 : i32
    %add3A_28 = arith.addi %mul3A_26, %add3A_27 : i32
    "tpu.region"() ({
      %run_scoped3A = tpu.sem_alloc : memref<!tpu.dma_semaphore, #tpu.memory_space<semaphore_mem>>
      %dma_start3A = arith.constant 0 : i32
      %dma_start3A_56 = tpu.memref_slice %arg17[%add3A_28, %dma_start3A] : memref<10240x128xf32, #tpu.memory_space<vmem_shared>> -> memref<128x128xf32, #tpu.memory_space<vmem_shared>>
      %dma_start3A_57 = arith.constant 0 : i32
      %dma_start3A_58 = tpu.memref_slice %arg17[%add3A_28, %dma_start3A_57] : memref<10240x128xf32, #tpu.memory_space<vmem_shared>> -> memref<128x128xf32, #tpu.memory_space<vmem_shared>>
      tpu.enqueue_dma source(%arg15 : memref<128x128xf32, #tpu.memory_space<vmem>>) target(%dma_start3A_58 : memref<128x128xf32, #tpu.memory_space<vmem_shared>>) target_semaphore(%run_scoped3A : memref<!tpu.dma_semaphore, #tpu.memory_space<semaphore_mem>>)
      %dma_wait3A = arith.constant 0 : i32
      %dma_wait3A_59 = tpu.memref_slice %arg17[%add3A_28, %dma_wait3A] : memref<10240x128xf32, #tpu.memory_space<vmem_shared>> -> memref<128x128xf32, #tpu.memory_space<vmem_shared>>
      %dma_wait3A_60 = arith.constant 0 : i32
      %dma_wait3A_61 = tpu.memref_slice %arg17[%add3A_28, %dma_wait3A_60] : memref<10240x128xf32, #tpu.memory_space<vmem_shared>> -> memref<128x128xf32, #tpu.memory_space<vmem_shared>>
      tpu.wait_dma2 semaphore(%run_scoped3A : memref<!tpu.dma_semaphore, #tpu.memory_space<semaphore_mem>>) src(%arg15 : memref<128x128xf32, #tpu.memory_space<vmem>>) dst(%dma_wait3A_61 : memref<128x128xf32, #tpu.memory_space<vmem_shared>>)
      tpu.yield
    }) : () -> ()
    "tpu.region"() ({
      %run_scoped3A = tpu.sem_alloc : memref<!tpu.dma_semaphore, #tpu.memory_space<semaphore_mem>>
      %dma_start3A = arith.constant 0 : i32
      %dma_start3A_56 = tpu.memref_slice %arg18[%add3A_28, %dma_start3A] : memref<10240x16xf32, #tpu.memory_space<vmem_shared>> -> memref<128x16xf32, #tpu.memory_space<vmem_shared>>
      %dma_start3A_57 = arith.constant 0 : i32
      %dma_start3A_58 = tpu.memref_slice %arg18[%add3A_28, %dma_start3A_57] : memref<10240x16xf32, #tpu.memory_space<vmem_shared>> -> memref<128x16xf32, #tpu.memory_space<vmem_shared>>
      tpu.enqueue_dma source(%arg16 : memref<128x16xf32, #tpu.memory_space<vmem>>) target(%dma_start3A_58 : memref<128x16xf32, #tpu.memory_space<vmem_shared>>) target_semaphore(%run_scoped3A : memref<!tpu.dma_semaphore, #tpu.memory_space<semaphore_mem>>)
      %dma_wait3A = arith.constant 0 : i32
      %dma_wait3A_59 = tpu.memref_slice %arg18[%add3A_28, %dma_wait3A] : memref<10240x16xf32, #tpu.memory_space<vmem_shared>> -> memref<128x16xf32, #tpu.memory_space<vmem_shared>>
      %dma_wait3A_60 = arith.constant 0 : i32
      %dma_wait3A_61 = tpu.memref_slice %arg18[%add3A_28, %dma_wait3A_60] : memref<10240x16xf32, #tpu.memory_space<vmem_shared>> -> memref<128x16xf32, #tpu.memory_space<vmem_shared>>
      tpu.wait_dma2 semaphore(%run_scoped3A : memref<!tpu.dma_semaphore, #tpu.memory_space<semaphore_mem>>) src(%arg16 : memref<128x16xf32, #tpu.memory_space<vmem>>) dst(%dma_wait3A_61 : memref<128x16xf32, #tpu.memory_space<vmem_shared>>)
      tpu.yield
    }) : () -> ()
    %barrier3A = arith.constant 0 : index
    tpu.barrier barrier_id(%barrier3A)
    %scan3A_29 = arith.constant 0 : i32
    %scan3A_30 = arith.constant 0 : i32
    %scan3A_31 = arith.constant 125 : i32
    %scan3A_32 = arith.addi %scan3A_30, %scan3A_31 : i32
    %scan3A_33 = arith.constant 1 : i32
    scf.for %scan3A_56 = %scan3A_30 to %scan3A_32 step %scan3A_33  : i32 {
      "tpu.region"() ({
        %run_scoped3A = tpu.sem_alloc : memref<!tpu.dma_semaphore, #tpu.memory_space<semaphore_mem>>
        %dma_start3A_79 = arith.constant 0 : i32
        %dma_start3A_80 = tpu.memref_slice %arg2[%add3A, %scan3A_56, %dma_start3A_79] : memref<32x125x80xi32, #tpu.memory_space<hbm>> -> memref<1x1x80xi32, #tpu.memory_space<hbm>>
        %dma_start3A_81 = tpu.memref_squeeze %dma_start3A_80 : memref<1x1x80xi32, #tpu.memory_space<hbm>> -> memref<80xi32, #tpu.memory_space<hbm>>
        %dma_start3A_82 = arith.constant 0 : i32
        %dma_start3A_83 = tpu.memref_slice %arg2[%add3A, %scan3A_56, %dma_start3A_82] : memref<32x125x80xi32, #tpu.memory_space<hbm>> -> memref<1x1x80xi32, #tpu.memory_space<hbm>>
        %dma_start3A_84 = tpu.memref_squeeze %dma_start3A_83 : memref<1x1x80xi32, #tpu.memory_space<hbm>> -> memref<80xi32, #tpu.memory_space<hbm>>
        tpu.enqueue_dma source(%dma_start3A_84 : memref<80xi32, #tpu.memory_space<hbm>>) target(%arg9 : memref<80xi32, #tpu.memory_space<vmem>>) target_semaphore(%run_scoped3A : memref<!tpu.dma_semaphore, #tpu.memory_space<semaphore_mem>>)
        %dma_wait3A_85 = arith.constant 0 : i32
        %dma_wait3A_86 = tpu.memref_slice %arg2[%add3A, %scan3A_56, %dma_wait3A_85] : memref<32x125x80xi32, #tpu.memory_space<hbm>> -> memref<1x1x80xi32, #tpu.memory_space<hbm>>
        %dma_wait3A_87 = tpu.memref_squeeze %dma_wait3A_86 : memref<1x1x80xi32, #tpu.memory_space<hbm>> -> memref<80xi32, #tpu.memory_space<hbm>>
        %dma_wait3A_88 = arith.constant 0 : i32
        %dma_wait3A_89 = tpu.memref_slice %arg2[%add3A, %scan3A_56, %dma_wait3A_88] : memref<32x125x80xi32, #tpu.memory_space<hbm>> -> memref<1x1x80xi32, #tpu.memory_space<hbm>>
        %dma_wait3A_90 = tpu.memref_squeeze %dma_wait3A_89 : memref<1x1x80xi32, #tpu.memory_space<hbm>> -> memref<80xi32, #tpu.memory_space<hbm>>
        tpu.wait_dma2 semaphore(%run_scoped3A : memref<!tpu.dma_semaphore, #tpu.memory_space<semaphore_mem>>) src(%dma_wait3A_90 : memref<80xi32, #tpu.memory_space<hbm>>) dst(%arg9 : memref<80xi32, #tpu.memory_space<vmem>>)
        tpu.yield
      }) : () -> ()
      "tpu.region"() ({
        %run_scoped3A = tpu.sem_alloc : memref<!tpu.dma_semaphore, #tpu.memory_space<semaphore_mem>>
        %dma_start3A_79 = arith.constant 0 : i32
        %dma_start3A_80 = tpu.memref_slice %arg3[%add3A, %scan3A_56, %dma_start3A_79] : memref<32x125x80xi32, #tpu.memory_space<hbm>> -> memref<1x1x80xi32, #tpu.memory_space<hbm>>
        %dma_start3A_81 = tpu.memref_squeeze %dma_start3A_80 : memref<1x1x80xi32, #tpu.memory_space<hbm>> -> memref<80xi32, #tpu.memory_space<hbm>>
        %dma_start3A_82 = arith.constant 0 : i32
        %dma_start3A_83 = tpu.memref_slice %arg3[%add3A, %scan3A_56, %dma_start3A_82] : memref<32x125x80xi32, #tpu.memory_space<hbm>> -> memref<1x1x80xi32, #tpu.memory_space<hbm>>
        %dma_start3A_84 = tpu.memref_squeeze %dma_start3A_83 : memref<1x1x80xi32, #tpu.memory_space<hbm>> -> memref<80xi32, #tpu.memory_space<hbm>>
        tpu.enqueue_dma source(%dma_start3A_84 : memref<80xi32, #tpu.memory_space<hbm>>) target(%arg10 : memref<80xi32, #tpu.memory_space<vmem>>) target_semaphore(%run_scoped3A : memref<!tpu.dma_semaphore, #tpu.memory_space<semaphore_mem>>)
        %dma_wait3A_85 = arith.constant 0 : i32
        %dma_wait3A_86 = tpu.memref_slice %arg3[%add3A, %scan3A_56, %dma_wait3A_85] : memref<32x125x80xi32, #tpu.memory_space<hbm>> -> memref<1x1x80xi32, #tpu.memory_space<hbm>>
        %dma_wait3A_87 = tpu.memref_squeeze %dma_wait3A_86 : memref<1x1x80xi32, #tpu.memory_space<hbm>> -> memref<80xi32, #tpu.memory_space<hbm>>
        %dma_wait3A_88 = arith.constant 0 : i32
        %dma_wait3A_89 = tpu.memref_slice %arg3[%add3A, %scan3A_56, %dma_wait3A_88] : memref<32x125x80xi32, #tpu.memory_space<hbm>> -> memref<1x1x80xi32, #tpu.memory_space<hbm>>
        %dma_wait3A_90 = tpu.memref_squeeze %dma_wait3A_89 : memref<1x1x80xi32, #tpu.memory_space<hbm>> -> memref<80xi32, #tpu.memory_space<hbm>>
        tpu.wait_dma2 semaphore(%run_scoped3A : memref<!tpu.dma_semaphore, #tpu.memory_space<semaphore_mem>>) src(%dma_wait3A_90 : memref<80xi32, #tpu.memory_space<hbm>>) dst(%arg10 : memref<80xi32, #tpu.memory_space<vmem>>)
        tpu.yield
      }) : () -> ()
      %dma_start3A = arith.constant 0 : i32
      %dma_start3A_57 = arith.constant 0 : i32
      %dma_start3A_58 = tpu.memref_slice %arg5[%dma_start3A, %dma_start3A_57] : memref<10000x16xf32, #tpu.memory_space<hbm>> -> memref<10000x16xf32, #tpu.memory_space<hbm>>
      tpu.enqueue_indirect_dma source(%dma_start3A_58 : memref<10000x16xf32, #tpu.memory_space<hbm>>) target(%arg11 : memref<80x16xf32, #tpu.memory_space<vmem>>) offsets(%arg9 : memref<80xi32, #tpu.memory_space<vmem>>) semaphore(%arg19 : memref<!tpu.dma_semaphore, #tpu.memory_space<semaphore_mem>>)
      %dma_start3A_59 = arith.constant 0 : i32
      %dma_start3A_60 = arith.constant 0 : i32
      %dma_start3A_61 = tpu.memref_slice %arg6[%dma_start3A_59, %dma_start3A_60] : memref<10000x16xf32, #tpu.memory_space<hbm>> -> memref<10000x16xf32, #tpu.memory_space<hbm>>
      tpu.enqueue_indirect_dma source(%dma_start3A_61 : memref<10000x16xf32, #tpu.memory_space<hbm>>) target(%arg12 : memref<80x16xf32, #tpu.memory_space<vmem>>) offsets(%arg10 : memref<80xi32, #tpu.memory_space<vmem>>) semaphore(%arg20 : memref<!tpu.dma_semaphore, #tpu.memory_space<semaphore_mem>>)
      %dma_start3A_62 = arith.constant 0 : i32
      %dma_start3A_63 = arith.constant 0 : i32
      %dma_start3A_64 = tpu.memref_slice %arg4[%dma_start3A_62, %dma_start3A_63] : memref<10000x128xf32, #tpu.memory_space<hbm>> -> memref<10000x128xf32, #tpu.memory_space<hbm>>
      tpu.enqueue_indirect_dma source(%dma_start3A_64 : memref<10000x128xf32, #tpu.memory_space<hbm>>) target(%arg13 : memref<80x128xf32, #tpu.memory_space<vmem>>) offsets(%arg9 : memref<80xi32, #tpu.memory_space<vmem>>) semaphore(%arg21 : memref<!tpu.dma_semaphore, #tpu.memory_space<semaphore_mem>>)
      %dma_wait3A = arith.constant 0 : i32
      %dma_wait3A_65 = arith.constant 0 : i32
      %dma_wait3A_66 = tpu.memref_slice %arg5[%dma_wait3A, %dma_wait3A_65] : memref<10000x16xf32, #tpu.memory_space<hbm>> -> memref<10000x16xf32, #tpu.memory_space<hbm>>
      tpu.wait_indirect_dma semaphore(%arg19 : memref<!tpu.dma_semaphore, #tpu.memory_space<semaphore_mem>>) src(%dma_wait3A_66 : memref<10000x16xf32, #tpu.memory_space<hbm>>) dst(%arg11 : memref<80x16xf32, #tpu.memory_space<vmem>>)
      %dma_wait3A_67 = arith.constant 0 : i32
      %dma_wait3A_68 = arith.constant 0 : i32
      %dma_wait3A_69 = tpu.memref_slice %arg6[%dma_wait3A_67, %dma_wait3A_68] : memref<10000x16xf32, #tpu.memory_space<hbm>> -> memref<10000x16xf32, #tpu.memory_space<hbm>>
      tpu.wait_indirect_dma semaphore(%arg20 : memref<!tpu.dma_semaphore, #tpu.memory_space<semaphore_mem>>) src(%dma_wait3A_69 : memref<10000x16xf32, #tpu.memory_space<hbm>>) dst(%arg12 : memref<80x16xf32, #tpu.memory_space<vmem>>)
      %dma_wait3A_70 = arith.constant 0 : i32
      %dma_wait3A_71 = arith.constant 0 : i32
      %dma_wait3A_72 = tpu.memref_slice %arg4[%dma_wait3A_70, %dma_wait3A_71] : memref<10000x128xf32, #tpu.memory_space<hbm>> -> memref<10000x128xf32, #tpu.memory_space<hbm>>
      tpu.wait_indirect_dma semaphore(%arg21 : memref<!tpu.dma_semaphore, #tpu.memory_space<semaphore_mem>>) src(%dma_wait3A_72 : memref<10000x128xf32, #tpu.memory_space<hbm>>) dst(%arg13 : memref<80x128xf32, #tpu.memory_space<vmem>>)
      %scan3A_73 = arith.constant 0 : i32
      %scan3A_74 = arith.constant 0 : i32
      %scan3A_75 = arith.constant 80 : i32
      %scan3A_76 = arith.addi %scan3A_74, %scan3A_75 : i32
      %scan3A_77 = arith.constant 1 : i32
      scf.for %scan3A_79 = %scan3A_74 to %scan3A_76 step %scan3A_77  : i32 {
        %get3A = arith.index_cast %scan3A_79 : i32 to index
        %get3A_80 = arith.constant 0 : index
        %get3A_81 = tpu.vector_load %arg11[%get3A, %get3A_80] {strides = array<i32>} : memref<80x16xf32, #tpu.memory_space<vmem>>, vector<1x16xf32>,
        %get3A_82 = vector.shape_cast %get3A_81 : vector<1x16xf32> to vector<16xf32>
        %get3A_83 = arith.index_cast %scan3A_79 : i32 to index
        %get3A_84 = arith.constant 0 : index
        %get3A_85 = tpu.vector_load %arg12[%get3A_83, %get3A_84] {strides = array<i32>} : memref<80x16xf32, #tpu.memory_space<vmem>>, vector<1x16xf32>,
        %get3A_86 = vector.shape_cast %get3A_85 : vector<1x16xf32> to vector<16xf32>
        %add3A_87 = arith.addf %get3A_82, %get3A_86 : vector<16xf32>
        %ge3A = arith.constant 0.000000e+00 : f32
        %ge3A_88 = vector.broadcast %ge3A : f32 to vector<16xf32>
        %ge3A_89 = arith.cmpf oge, %add3A_87, %ge3A_88 : vector<16xf32>
        %mul3A_90 = arith.constant 2.000000e-01 : f32
        %mul3A_91 = vector.broadcast %mul3A_90 : f32 to vector<16xf32>
        %mul3A_92 = arith.mulf %add3A_87, %mul3A_91 : vector<16xf32>
        %select_n3A = arith.select %ge3A_89, %add3A_87, %mul3A_92 : vector<16xi1>, vector<16xf32>
        %rev3A = arith.constant 15 : i32
        %rev3A_93 = vector.broadcast %rev3A : i32 to vector<16xi32>
        %rev3A_94 = tpu.iota {dimensions = array<i32: 0>} : vector<16xi32>
        %rev3A_95 = arith.subi %rev3A_93, %rev3A_94 : vector<16xi32>
        %rev3A_96 = tpu.dynamic_gather %get3A_86[%rev3A_95] in [0] : vector<16xf32>, vector<16xi32> -> vector<16xf32>
        %sub3A = arith.subf %select_n3A, %rev3A_96 : vector<16xf32>
        %exp3A = math.exp %sub3A : vector<16xf32>
        %jit3A = arith.constant 0.000000e+00 : f32
        %broadcast_in_dim3A_97 = vector.broadcast %jit3A : f32 to vector<16xf32>
        %select_n3A_98 = arith.select %lt3A_3, %exp3A, %broadcast_in_dim3A_97 : vector<16xi1>, vector<16xf32>
        %swap3A = arith.index_cast %scan3A_79 : i32 to index
        %swap3A_99 = arith.constant 0 : index
        %swap3A_100 = tpu.vector_load %arg14[%swap3A, %swap3A_99] {strides = array<i32>} : memref<80x16xf32, #tpu.memory_space<vmem>>, vector<1x16xf32>,
        %swap3A_101 = vector.shape_cast %swap3A_100 : vector<1x16xf32> to vector<16xf32>
        %swap3A_102 = vector.shape_cast %select_n3A_98 : vector<16xf32> to vector<1x16xf32>
        tpu.vector_store %arg14[%swap3A, %swap3A_99], %swap3A_102 {strides = array<i32>} : memref<80x16xf32, #tpu.memory_space<vmem>>, vector<1x16xf32>,
        %get3A_103 = arith.index_cast %scan3A_79 : i32 to index
        %get3A_104 = arith.constant 0 : index
        %get3A_105 = tpu.vector_load %arg13[%get3A_103, %get3A_104] {strides = array<i32>} : memref<80x128xf32, #tpu.memory_space<vmem>>, vector<1x16xf32>,
        %get3A_106 = vector.shape_cast %get3A_105 : vector<1x16xf32> to vector<16xf32>
        %slice3A = vector.extract_strided_slice %select_n3A_98 {offsets = [0], sizes = [1], strides = [1]} : vector<16xf32> to vector<1xf32>
        %squeeze3A = vector.extract %slice3A[0] : f32 from vector<1xf32>
        %mul3A_107 = vector.broadcast %squeeze3A : f32 to vector<16xf32>
        %mul3A_108 = arith.mulf %get3A_106, %mul3A_107 : vector<16xf32>
        %swap3A_109 = arith.index_cast %scan3A_79 : i32 to index
        %swap3A_110 = arith.constant 0 : index
        %swap3A_111 = tpu.vector_load %arg13[%swap3A_109, %swap3A_110] {strides = array<i32>} : memref<80x128xf32, #tpu.memory_space<vmem>>, vector<1x16xf32>,
        %swap3A_112 = vector.shape_cast %swap3A_111 : vector<1x16xf32> to vector<16xf32>
        %swap3A_113 = vector.shape_cast %mul3A_108 : vector<16xf32> to vector<1x16xf32>
        tpu.vector_store %arg13[%swap3A_109, %swap3A_110], %swap3A_113 {strides = array<i32>} : memref<80x128xf32, #tpu.memory_space<vmem>>, vector<1x16xf32>,
        %get3A_114 = arith.index_cast %scan3A_79 : i32 to index
        %get3A_115 = arith.constant 16 : index
        %get3A_116 = tpu.vector_load %arg13[%get3A_114, %get3A_115] {strides = array<i32>} : memref<80x128xf32, #tpu.memory_space<vmem>>, vector<1x16xf32>,
        %get3A_117 = vector.shape_cast %get3A_116 : vector<1x16xf32> to vector<16xf32>
        %slice3A_118 = vector.extract_strided_slice %select_n3A_98 {offsets = [1], sizes = [1], strides = [1]} : vector<16xf32> to vector<1xf32>
        %squeeze3A_119 = vector.extract %slice3A_118[0] : f32 from vector<1xf32>
        %mul3A_120 = vector.broadcast %squeeze3A_119 : f32 to vector<16xf32>
        %mul3A_121 = arith.mulf %get3A_117, %mul3A_120 : vector<16xf32>
        %swap3A_122 = arith.index_cast %scan3A_79 : i32 to index
        %swap3A_123 = arith.constant 16 : index
        %swap3A_124 = tpu.vector_load %arg13[%swap3A_122, %swap3A_123] {strides = array<i32>} : memref<80x128xf32, #tpu.memory_space<vmem>>, vector<1x16xf32>,
        %swap3A_125 = vector.shape_cast %swap3A_124 : vector<1x16xf32> to vector<16xf32>
        %swap3A_126 = vector.shape_cast %mul3A_121 : vector<16xf32> to vector<1x16xf32>
        tpu.vector_store %arg13[%swap3A_122, %swap3A_123], %swap3A_126 {strides = array<i32>} : memref<80x128xf32, #tpu.memory_space<vmem>>, vector<1x16xf32>,
        %get3A_127 = arith.index_cast %scan3A_79 : i32 to index
        %get3A_128 = arith.constant 32 : index
        %get3A_129 = tpu.vector_load %arg13[%get3A_127, %get3A_128] {strides = array<i32>} : memref<80x128xf32, #tpu.memory_space<vmem>>, vector<1x16xf32>,
        %get3A_130 = vector.shape_cast %get3A_129 : vector<1x16xf32> to vector<16xf32>
        %slice3A_131 = vector.extract_strided_slice %select_n3A_98 {offsets = [2], sizes = [1], strides = [1]} : vector<16xf32> to vector<1xf32>
        %squeeze3A_132 = vector.extract %slice3A_131[0] : f32 from vector<1xf32>
        %mul3A_133 = vector.broadcast %squeeze3A_132 : f32 to vector<16xf32>
        %mul3A_134 = arith.mulf %get3A_130, %mul3A_133 : vector<16xf32>
        %swap3A_135 = arith.index_cast %scan3A_79 : i32 to index
        %swap3A_136 = arith.constant 32 : index
        %swap3A_137 = tpu.vector_load %arg13[%swap3A_135, %swap3A_136] {strides = array<i32>} : memref<80x128xf32, #tpu.memory_space<vmem>>, vector<1x16xf32>,
        %swap3A_138 = vector.shape_cast %swap3A_137 : vector<1x16xf32> to vector<16xf32>
        %swap3A_139 = vector.shape_cast %mul3A_134 : vector<16xf32> to vector<1x16xf32>
        tpu.vector_store %arg13[%swap3A_135, %swap3A_136], %swap3A_139 {strides = array<i32>} : memref<80x128xf32, #tpu.memory_space<vmem>>, vector<1x16xf32>,
        %get3A_140 = arith.index_cast %scan3A_79 : i32 to index
        %get3A_141 = arith.constant 48 : index
        %get3A_142 = tpu.vector_load %arg13[%get3A_140, %get3A_141] {strides = array<i32>} : memref<80x128xf32, #tpu.memory_space<vmem>>, vector<1x16xf32>,
        %get3A_143 = vector.shape_cast %get3A_142 : vector<1x16xf32> to vector<16xf32>
        %slice3A_144 = vector.extract_strided_slice %select_n3A_98 {offsets = [3], sizes = [1], strides = [1]} : vector<16xf32> to vector<1xf32>
        %squeeze3A_145 = vector.extract %slice3A_144[0] : f32 from vector<1xf32>
        %mul3A_146 = vector.broadcast %squeeze3A_145 : f32 to vector<16xf32>
        %mul3A_147 = arith.mulf %get3A_143, %mul3A_146 : vector<16xf32>
        %swap3A_148 = arith.index_cast %scan3A_79 : i32 to index
        %swap3A_149 = arith.constant 48 : index
        %swap3A_150 = tpu.vector_load %arg13[%swap3A_148, %swap3A_149] {strides = array<i32>} : memref<80x128xf32, #tpu.memory_space<vmem>>, vector<1x16xf32>,
        %swap3A_151 = vector.shape_cast %swap3A_150 : vector<1x16xf32> to vector<16xf32>
        %swap3A_152 = vector.shape_cast %mul3A_147 : vector<16xf32> to vector<1x16xf32>
        tpu.vector_store %arg13[%swap3A_148, %swap3A_149], %swap3A_152 {strides = array<i32>} : memref<80x128xf32, #tpu.memory_space<vmem>>, vector<1x16xf32>,
        %get3A_153 = arith.index_cast %scan3A_79 : i32 to index
        %get3A_154 = arith.constant 64 : index
        %get3A_155 = tpu.vector_load %arg13[%get3A_153, %get3A_154] {strides = array<i32>} : memref<80x128xf32, #tpu.memory_space<vmem>>, vector<1x16xf32>,
        %get3A_156 = vector.shape_cast %get3A_155 : vector<1x16xf32> to vector<16xf32>
        %slice3A_157 = vector.extract_strided_slice %select_n3A_98 {offsets = [4], sizes = [1], strides = [1]} : vector<16xf32> to vector<1xf32>
        %squeeze3A_158 = vector.extract %slice3A_157[0] : f32 from vector<1xf32>
        %mul3A_159 = vector.broadcast %squeeze3A_158 : f32 to vector<16xf32>
        %mul3A_160 = arith.mulf %get3A_156, %mul3A_159 : vector<16xf32>
        %swap3A_161 = arith.index_cast %scan3A_79 : i32 to index
        %swap3A_162 = arith.constant 64 : index
        %swap3A_163 = tpu.vector_load %arg13[%swap3A_161, %swap3A_162] {strides = array<i32>} : memref<80x128xf32, #tpu.memory_space<vmem>>, vector<1x16xf32>,
        %swap3A_164 = vector.shape_cast %swap3A_163 : vector<1x16xf32> to vector<16xf32>
        %swap3A_165 = vector.shape_cast %mul3A_160 : vector<16xf32> to vector<1x16xf32>
        tpu.vector_store %arg13[%swap3A_161, %swap3A_162], %swap3A_165 {strides = array<i32>} : memref<80x128xf32, #tpu.memory_space<vmem>>, vector<1x16xf32>,
        %get3A_166 = arith.index_cast %scan3A_79 : i32 to index
        %get3A_167 = arith.constant 80 : index
        %get3A_168 = tpu.vector_load %arg13[%get3A_166, %get3A_167] {strides = array<i32>} : memref<80x128xf32, #tpu.memory_space<vmem>>, vector<1x16xf32>,
        %get3A_169 = vector.shape_cast %get3A_168 : vector<1x16xf32> to vector<16xf32>
        %slice3A_170 = vector.extract_strided_slice %select_n3A_98 {offsets = [5], sizes = [1], strides = [1]} : vector<16xf32> to vector<1xf32>
        %squeeze3A_171 = vector.extract %slice3A_170[0] : f32 from vector<1xf32>
        %mul3A_172 = vector.broadcast %squeeze3A_171 : f32 to vector<16xf32>
        %mul3A_173 = arith.mulf %get3A_169, %mul3A_172 : vector<16xf32>
        %swap3A_174 = arith.index_cast %scan3A_79 : i32 to index
        %swap3A_175 = arith.constant 80 : index
        %swap3A_176 = tpu.vector_load %arg13[%swap3A_174, %swap3A_175] {strides = array<i32>} : memref<80x128xf32, #tpu.memory_space<vmem>>, vector<1x16xf32>,
        %swap3A_177 = vector.shape_cast %swap3A_176 : vector<1x16xf32> to vector<16xf32>
        %swap3A_178 = vector.shape_cast %mul3A_173 : vector<16xf32> to vector<1x16xf32>
        tpu.vector_store %arg13[%swap3A_174, %swap3A_175], %swap3A_178 {strides = array<i32>} : memref<80x128xf32, #tpu.memory_space<vmem>>, vector<1x16xf32>,
        %get3A_179 = arith.index_cast %scan3A_79 : i32 to index
        %get3A_180 = arith.constant 96 : index
        %get3A_181 = tpu.vector_load %arg13[%get3A_179, %get3A_180] {strides = array<i32>} : memref<80x128xf32, #tpu.memory_space<vmem>>, vector<1x16xf32>,
        %get3A_182 = vector.shape_cast %get3A_181 : vector<1x16xf32> to vector<16xf32>
        %slice3A_183 = vector.extract_strided_slice %select_n3A_98 {offsets = [6], sizes = [1], strides = [1]} : vector<16xf32> to vector<1xf32>
        %squeeze3A_184 = vector.extract %slice3A_183[0] : f32 from vector<1xf32>
        %mul3A_185 = vector.broadcast %squeeze3A_184 : f32 to vector<16xf32>
        %mul3A_186 = arith.mulf %get3A_182, %mul3A_185 : vector<16xf32>
        %swap3A_187 = arith.index_cast %scan3A_79 : i32 to index
        %swap3A_188 = arith.constant 96 : index
        %swap3A_189 = tpu.vector_load %arg13[%swap3A_187, %swap3A_188] {strides = array<i32>} : memref<80x128xf32, #tpu.memory_space<vmem>>, vector<1x16xf32>,
        %swap3A_190 = vector.shape_cast %swap3A_189 : vector<1x16xf32> to vector<16xf32>
        %swap3A_191 = vector.shape_cast %mul3A_186 : vector<16xf32> to vector<1x16xf32>
        tpu.vector_store %arg13[%swap3A_187, %swap3A_188], %swap3A_191 {strides = array<i32>} : memref<80x128xf32, #tpu.memory_space<vmem>>, vector<1x16xf32>,
        %get3A_192 = arith.index_cast %scan3A_79 : i32 to index
        %get3A_193 = arith.constant 112 : index
        %get3A_194 = tpu.vector_load %arg13[%get3A_192, %get3A_193] {strides = array<i32>} : memref<80x128xf32, #tpu.memory_space<vmem>>, vector<1x16xf32>,
        %get3A_195 = vector.shape_cast %get3A_194 : vector<1x16xf32> to vector<16xf32>
        %slice3A_196 = vector.extract_strided_slice %select_n3A_98 {offsets = [7], sizes = [1], strides = [1]} : vector<16xf32> to vector<1xf32>
        %squeeze3A_197 = vector.extract %slice3A_196[0] : f32 from vector<1xf32>
        %mul3A_198 = vector.broadcast %squeeze3A_197 : f32 to vector<16xf32>
        %mul3A_199 = arith.mulf %get3A_195, %mul3A_198 : vector<16xf32>
        %swap3A_200 = arith.index_cast %scan3A_79 : i32 to index
        %swap3A_201 = arith.constant 112 : index
        %swap3A_202 = tpu.vector_load %arg13[%swap3A_200, %swap3A_201] {strides = array<i32>} : memref<80x128xf32, #tpu.memory_space<vmem>>, vector<1x16xf32>,
        %swap3A_203 = vector.shape_cast %swap3A_202 : vector<1x16xf32> to vector<16xf32>
        %swap3A_204 = vector.shape_cast %mul3A_199 : vector<16xf32> to vector<1x16xf32>
        tpu.vector_store %arg13[%swap3A_200, %swap3A_201], %swap3A_204 {strides = array<i32>} : memref<80x128xf32, #tpu.memory_space<vmem>>, vector<1x16xf32>,
      }
      %scan3A_78 = arith.constant 80 : i32
      "tpu.region"() ({
        %run_scoped3A = tpu.sem_alloc : memref<!tpu.dma_semaphore, #tpu.memory_space<semaphore_mem>>
        %dma_start3A_79 = arith.constant 0 : i32
        %dma_start3A_80 = arith.constant 0 : i32
        %dma_start3A_81 = tpu.memref_slice %arg18[%dma_start3A_79, %dma_start3A_80] : memref<10240x16xf32, #tpu.memory_space<vmem_shared>> -> memref<10240x16xf32, #tpu.memory_space<vmem_shared>>
        tpu.enqueue_indirect_dma source(%arg14 : memref<80x16xf32, #tpu.memory_space<vmem>>) target(%dma_start3A_81 : memref<10240x16xf32, #tpu.memory_space<vmem_shared>>) offsets(%arg10 : memref<80xi32, #tpu.memory_space<vmem>>) semaphore(%run_scoped3A : memref<!tpu.dma_semaphore, #tpu.memory_space<semaphore_mem>>) {add = true}
        %dma_wait3A_82 = arith.constant 0 : i32
        %dma_wait3A_83 = arith.constant 0 : i32
        %dma_wait3A_84 = tpu.memref_slice %arg18[%dma_wait3A_82, %dma_wait3A_83] : memref<10240x16xf32, #tpu.memory_space<vmem_shared>> -> memref<10240x16xf32, #tpu.memory_space<vmem_shared>>
        tpu.wait_indirect_dma semaphore(%run_scoped3A : memref<!tpu.dma_semaphore, #tpu.memory_space<semaphore_mem>>) src(%arg14 : memref<80x16xf32, #tpu.memory_space<vmem>>) dst(%dma_wait3A_84 : memref<10240x16xf32, #tpu.memory_space<vmem_shared>>)
        tpu.yield
      }) : () -> ()
      "tpu.region"() ({
        %run_scoped3A = tpu.sem_alloc : memref<!tpu.dma_semaphore, #tpu.memory_space<semaphore_mem>>
        %dma_start3A_79 = arith.constant 0 : i32
        %dma_start3A_80 = arith.constant 0 : i32
        %dma_start3A_81 = tpu.memref_slice %arg17[%dma_start3A_79, %dma_start3A_80] : memref<10240x128xf32, #tpu.memory_space<vmem_shared>> -> memref<10240x128xf32, #tpu.memory_space<vmem_shared>>
        tpu.enqueue_indirect_dma source(%arg13 : memref<80x128xf32, #tpu.memory_space<vmem>>) target(%dma_start3A_81 : memref<10240x128xf32, #tpu.memory_space<vmem_shared>>) offsets(%arg10 : memref<80xi32, #tpu.memory_space<vmem>>) semaphore(%run_scoped3A : memref<!tpu.dma_semaphore, #tpu.memory_space<semaphore_mem>>) {add = true}
        %dma_wait3A_82 = arith.constant 0 : i32
        %dma_wait3A_83 = arith.constant 0 : i32
        %dma_wait3A_84 = tpu.memref_slice %arg17[%dma_wait3A_82, %dma_wait3A_83] : memref<10240x128xf32, #tpu.memory_space<vmem_shared>> -> memref<10240x128xf32, #tpu.memory_space<vmem_shared>>
        tpu.wait_indirect_dma semaphore(%run_scoped3A : memref<!tpu.dma_semaphore, #tpu.memory_space<semaphore_mem>>) src(%arg13 : memref<80x128xf32, #tpu.memory_space<vmem>>) dst(%dma_wait3A_84 : memref<10240x128xf32, #tpu.memory_space<vmem_shared>>)
        tpu.yield
      }) : () -> ()
    }
    %scan3A_34 = arith.constant 125 : i32
    %barrier3A_35 = arith.constant 0 : index
    tpu.barrier barrier_id(%barrier3A_35)
    %mul3A_36 = arith.constant 640 : i32
    %mul3A_37 = arith.muli %arg1, %mul3A_36 : i32
    %add3A_38 = arith.constant 0 : i32
    %add3A_39 = arith.addi %mul3A_37, %add3A_38 : i32
    "tpu.region"() ({
      %run_scoped3A = tpu.sem_alloc : memref<!tpu.dma_semaphore, #tpu.memory_space<semaphore_mem>>
      %dma_start3A = arith.constant 0 : i32
      %dma_start3A_56 = tpu.memref_slice %arg17[%add3A_39, %dma_start3A] : memref<10240x128xf32, #tpu.memory_space<vmem_shared>> -> memref<128x128xf32, #tpu.memory_space<vmem_shared>>
      %dma_start3A_57 = arith.constant 0 : i32
      %dma_start3A_58 = tpu.memref_slice %arg17[%add3A_39, %dma_start3A_57] : memref<10240x128xf32, #tpu.memory_space<vmem_shared>> -> memref<128x128xf32, #tpu.memory_space<vmem_shared>>
      tpu.enqueue_dma source(%dma_start3A_58 : memref<128x128xf32, #tpu.memory_space<vmem_shared>>) target(%arg15 : memref<128x128xf32, #tpu.memory_space<vmem>>) target_semaphore(%run_scoped3A : memref<!tpu.dma_semaphore, #tpu.memory_space<semaphore_mem>>)
      %dma_wait3A = arith.constant 0 : i32
      %dma_wait3A_59 = tpu.memref_slice %arg17[%add3A_39, %dma_wait3A] : memref<10240x128xf32, #tpu.memory_space<vmem_shared>> -> memref<128x128xf32, #tpu.memory_space<vmem_shared>>
      %dma_wait3A_60 = arith.constant 0 : i32
      %dma_wait3A_61 = tpu.memref_slice %arg17[%add3A_39, %dma_wait3A_60] : memref<10240x128xf32, #tpu.memory_space<vmem_shared>> -> memref<128x128xf32, #tpu.memory_space<vmem_shared>>
      tpu.wait_dma2 semaphore(%run_scoped3A : memref<!tpu.dma_semaphore, #tpu.memory_space<semaphore_mem>>) src(%dma_wait3A_61 : memref<128x128xf32, #tpu.memory_space<vmem_shared>>) dst(%arg15 : memref<128x128xf32, #tpu.memory_space<vmem>>)
      tpu.yield
    }) : () -> ()
    "tpu.region"() ({
      %run_scoped3A = tpu.sem_alloc : memref<!tpu.dma_semaphore, #tpu.memory_space<semaphore_mem>>
      %dma_start3A = arith.constant 0 : i32
      %dma_start3A_56 = tpu.memref_slice %arg7[%arg0, %add3A_39, %dma_start3A] : memref<2x10240x128xf32, #tpu.memory_space<hbm>> -> memref<1x128x128xf32, #tpu.memory_space<hbm>>
      %dma_start3A_57 = tpu.memref_squeeze %dma_start3A_56 : memref<1x128x128xf32, #tpu.memory_space<hbm>> -> memref<128x128xf32, #tpu.memory_space<hbm>>
      %dma_start3A_58 = arith.constant 0 : i32
      %dma_start3A_59 = tpu.memref_slice %arg7[%arg0, %add3A_39, %dma_start3A_58] : memref<2x10240x128xf32, #tpu.memory_space<hbm>> -> memref<1x128x128xf32, #tpu.memory_space<hbm>>
      %dma_start3A_60 = tpu.memref_squeeze %dma_start3A_59 : memref<1x128x128xf32, #tpu.memory_space<hbm>> -> memref<128x128xf32, #tpu.memory_space<hbm>>
      tpu.enqueue_dma source(%arg15 : memref<128x128xf32, #tpu.memory_space<vmem>>) target(%dma_start3A_60 : memref<128x128xf32, #tpu.memory_space<hbm>>) target_semaphore(%run_scoped3A : memref<!tpu.dma_semaphore, #tpu.memory_space<semaphore_mem>>)
      %dma_wait3A = arith.constant 0 : i32
      %dma_wait3A_61 = tpu.memref_slice %arg7[%arg0, %add3A_39, %dma_wait3A] : memref<2x10240x128xf32, #tpu.memory_space<hbm>> -> memref<1x128x128xf32, #tpu.memory_space<hbm>>
      %dma_wait3A_62 = tpu.memref_squeeze %dma_wait3A_61 : memref<1x128x128xf32, #tpu.memory_space<hbm>> -> memref<128x128xf32, #tpu.memory_space<hbm>>
      %dma_wait3A_63 = arith.constant 0 : i32
      %dma_wait3A_64 = tpu.memref_slice %arg7[%arg0, %add3A_39, %dma_wait3A_63] : memref<2x10240x128xf32, #tpu.memory_space<hbm>> -> memref<1x128x128xf32, #tpu.memory_space<hbm>>
      %dma_wait3A_65 = tpu.memref_squeeze %dma_wait3A_64 : memref<1x128x128xf32, #tpu.memory_space<hbm>> -> memref<128x128xf32, #tpu.memory_space<hbm>>
      tpu.wait_dma2 semaphore(%run_scoped3A : memref<!tpu.dma_semaphore, #tpu.memory_space<semaphore_mem>>) src(%arg15 : memref<128x128xf32, #tpu.memory_space<vmem>>) dst(%dma_wait3A_65 : memref<128x128xf32, #tpu.memory_space<hbm>>)
      tpu.yield
    }) : () -> ()
    "tpu.region"() ({
      %run_scoped3A = tpu.sem_alloc : memref<!tpu.dma_semaphore, #tpu.memory_space<semaphore_mem>>
      %dma_start3A = arith.constant 0 : i32
      %dma_start3A_56 = tpu.memref_slice %arg18[%add3A_39, %dma_start3A] : memref<10240x16xf32, #tpu.memory_space<vmem_shared>> -> memref<128x16xf32, #tpu.memory_space<vmem_shared>>
      %dma_start3A_57 = arith.constant 0 : i32
      %dma_start3A_58 = tpu.memref_slice %arg18[%add3A_39, %dma_start3A_57] : memref<10240x16xf32, #tpu.memory_space<vmem_shared>> -> memref<128x16xf32, #tpu.memory_space<vmem_shared>>
      tpu.enqueue_dma source(%dma_start3A_58 : memref<128x16xf32, #tpu.memory_space<vmem_shared>>) target(%arg16 : memref<128x16xf32, #tpu.memory_space<vmem>>) target_semaphore(%run_scoped3A : memref<!tpu.dma_semaphore, #tpu.memory_space<semaphore_mem>>)
      %dma_wait3A = arith.constant 0 : i32
      %dma_wait3A_59 = tpu.memref_slice %arg18[%add3A_39, %dma_wait3A] : memref<10240x16xf32, #tpu.memory_space<vmem_shared>> -> memref<128x16xf32, #tpu.memory_space<vmem_shared>>
      %dma_wait3A_60 = arith.constant 0 : i32
      %dma_wait3A_61 = tpu.memref_slice %arg18[%add3A_39, %dma_wait3A_60] : memref<10240x16xf32, #tpu.memory_space<vmem_shared>> -> memref<128x16xf32, #tpu.memory_space<vmem_shared>>
      tpu.wait_dma2 semaphore(%run_scoped3A : memref<!tpu.dma_semaphore, #tpu.memory_space<semaphore_mem>>) src(%dma_wait3A_61 : memref<128x16xf32, #tpu.memory_space<vmem_shared>>) dst(%arg16 : memref<128x16xf32, #tpu.memory_space<vmem>>)
      tpu.yield
    }) : () -> ()
    "tpu.region"() ({
      %run_scoped3A = tpu.sem_alloc : memref<!tpu.dma_semaphore, #tpu.memory_space<semaphore_mem>>
      %dma_start3A = arith.constant 0 : i32
      %dma_start3A_56 = tpu.memref_slice %arg8[%arg0, %add3A_39, %dma_start3A] : memref<2x10240x16xf32, #tpu.memory_space<hbm>> -> memref<1x128x16xf32, #tpu.memory_space<hbm>>
      %dma_start3A_57 = tpu.memref_squeeze %dma_start3A_56 : memref<1x128x16xf32, #tpu.memory_space<hbm>> -> memref<128x16xf32, #tpu.memory_space<hbm>>
      %dma_start3A_58 = arith.constant 0 : i32
      %dma_start3A_59 = tpu.memref_slice %arg8[%arg0, %add3A_39, %dma_start3A_58] : memref<2x10240x16xf32, #tpu.memory_space<hbm>> -> memref<1x128x16xf32, #tpu.memory_space<hbm>>
      %dma_start3A_60 = tpu.memref_squeeze %dma_start3A_59 : memref<1x128x16xf32, #tpu.memory_space<hbm>> -> memref<128x16xf32, #tpu.memory_space<hbm>>
      tpu.enqueue_dma source(%arg16 : memref<128x16xf32, #tpu.memory_space<vmem>>) target(%dma_start3A_60 : memref<128x16xf32, #tpu.memory_space<hbm>>) target_semaphore(%run_scoped3A : memref<!tpu.dma_semaphore, #tpu.memory_space<semaphore_mem>>)
      %dma_wait3A = arith.constant 0 : i32
      %dma_wait3A_61 = tpu.memref_slice %arg8[%arg0, %add3A_39, %dma_wait3A] : memref<2x10240x16xf32, #tpu.memory_space<hbm>> -> memref<1x128x16xf32, #tpu.memory_space<hbm>>
      %dma_wait3A_62 = tpu.memref_squeeze %dma_wait3A_61 : memref<1x128x16xf32, #tpu.memory_space<hbm>> -> memref<128x16xf32, #tpu.memory_space<hbm>>
      %dma_wait3A_63 = arith.constant 0 : i32
      %dma_wait3A_64 = tpu.memref_slice %arg8[%arg0, %add3A_39, %dma_wait3A_63] : memref<2x10240x16xf32, #tpu.memory_space<hbm>> -> memref<1x128x16xf32, #tpu.memory_space<hbm>>
      %dma_wait3A_65 = tpu.memref_squeeze %dma_wait3A_64 : memref<1x128x16xf32, #tpu.memory_space<hbm>> -> memref<128x16xf32, #tpu.memory_space<hbm>>
      tpu.wait_dma2 semaphore(%run_scoped3A : memref<!tpu.dma_semaphore, #tpu.memory_space<semaphore_mem>>) src(%arg16 : memref<128x16xf32, #tpu.memory_space<vmem>>) dst(%dma_wait3A_65 : memref<128x16xf32, #tpu.memory_space<hbm>>)
      tpu.yield
    }) : () -> ()
    %mul3A_40 = arith.constant 640 : i32
    %mul3A_41 = arith.muli %arg1, %mul3A_40 : i32
    %add3A_42 = arith.constant 128 : i32
    %add3A_43 = arith.addi %mul3A_41, %add3A_42 : i32
    "tpu.region"() ({
      %run_scoped3A = tpu.sem_alloc : memref<!tpu.dma_semaphore, #tpu.memory_space<semaphore_mem>>
      %dma_start3A = arith.constant 0 : i32
      %dma_start3A_56 = tpu.memref_slice %arg17[%add3A_43, %dma_start3A] : memref<10240x128xf32, #tpu.memory_space<vmem_shared>> -> memref<128x128xf32, #tpu.memory_space<vmem_shared>>
      %dma_start3A_57 = arith.constant 0 : i32
      %dma_start3A_58 = tpu.memref_slice %arg17[%add3A_43, %dma_start3A_57] : memref<10240x128xf32, #tpu.memory_space<vmem_shared>> -> memref<128x128xf32, #tpu.memory_space<vmem_shared>>
      tpu.enqueue_dma source(%dma_start3A_58 : memref<128x128xf32, #tpu.memory_space<vmem_shared>>) target(%arg15 : memref<128x128xf32, #tpu.memory_space<vmem>>) target_semaphore(%run_scoped3A : memref<!tpu.dma_semaphore, #tpu.memory_space<semaphore_mem>>)
      %dma_wait3A = arith.constant 0 : i32
      %dma_wait3A_59 = tpu.memref_slice %arg17[%add3A_43, %dma_wait3A] : memref<10240x128xf32, #tpu.memory_space<vmem_shared>> -> memref<128x128xf32, #tpu.memory_space<vmem_shared>>
      %dma_wait3A_60 = arith.constant 0 : i32
      %dma_wait3A_61 = tpu.memref_slice %arg17[%add3A_43, %dma_wait3A_60] : memref<10240x128xf32, #tpu.memory_space<vmem_shared>> -> memref<128x128xf32, #tpu.memory_space<vmem_shared>>
      tpu.wait_dma2 semaphore(%run_scoped3A : memref<!tpu.dma_semaphore, #tpu.memory_space<semaphore_mem>>) src(%dma_wait3A_61 : memref<128x128xf32, #tpu.memory_space<vmem_shared>>) dst(%arg15 : memref<128x128xf32, #tpu.memory_space<vmem>>)
      tpu.yield
    }) : () -> ()
    "tpu.region"() ({
      %run_scoped3A = tpu.sem_alloc : memref<!tpu.dma_semaphore, #tpu.memory_space<semaphore_mem>>
      %dma_start3A = arith.constant 0 : i32
      %dma_start3A_56 = tpu.memref_slice %arg7[%arg0, %add3A_43, %dma_start3A] : memref<2x10240x128xf32, #tpu.memory_space<hbm>> -> memref<1x128x128xf32, #tpu.memory_space<hbm>>
      %dma_start3A_57 = tpu.memref_squeeze %dma_start3A_56 : memref<1x128x128xf32, #tpu.memory_space<hbm>> -> memref<128x128xf32, #tpu.memory_space<hbm>>
      %dma_start3A_58 = arith.constant 0 : i32
      %dma_start3A_59 = tpu.memref_slice %arg7[%arg0, %add3A_43, %dma_start3A_58] : memref<2x10240x128xf32, #tpu.memory_space<hbm>> -> memref<1x128x128xf32, #tpu.memory_space<hbm>>
      %dma_start3A_60 = tpu.memref_squeeze %dma_start3A_59 : memref<1x128x128xf32, #tpu.memory_space<hbm>> -> memref<128x128xf32, #tpu.memory_space<hbm>>
      tpu.enqueue_dma source(%arg15 : memref<128x128xf32, #tpu.memory_space<vmem>>) target(%dma_start3A_60 : memref<128x128xf32, #tpu.memory_space<hbm>>) target_semaphore(%run_scoped3A : memref<!tpu.dma_semaphore, #tpu.memory_space<semaphore_mem>>)
      %dma_wait3A = arith.constant 0 : i32
      %dma_wait3A_61 = tpu.memref_slice %arg7[%arg0, %add3A_43, %dma_wait3A] : memref<2x10240x128xf32, #tpu.memory_space<hbm>> -> memref<1x128x128xf32, #tpu.memory_space<hbm>>
      %dma_wait3A_62 = tpu.memref_squeeze %dma_wait3A_61 : memref<1x128x128xf32, #tpu.memory_space<hbm>> -> memref<128x128xf32, #tpu.memory_space<hbm>>
      %dma_wait3A_63 = arith.constant 0 : i32
      %dma_wait3A_64 = tpu.memref_slice %arg7[%arg0, %add3A_43, %dma_wait3A_63] : memref<2x10240x128xf32, #tpu.memory_space<hbm>> -> memref<1x128x128xf32, #tpu.memory_space<hbm>>
      %dma_wait3A_65 = tpu.memref_squeeze %dma_wait3A_64 : memref<1x128x128xf32, #tpu.memory_space<hbm>> -> memref<128x128xf32, #tpu.memory_space<hbm>>
      tpu.wait_dma2 semaphore(%run_scoped3A : memref<!tpu.dma_semaphore, #tpu.memory_space<semaphore_mem>>) src(%arg15 : memref<128x128xf32, #tpu.memory_space<vmem>>) dst(%dma_wait3A_65 : memref<128x128xf32, #tpu.memory_space<hbm>>)
      tpu.yield
    }) : () -> ()
    "tpu.region"() ({
      %run_scoped3A = tpu.sem_alloc : memref<!tpu.dma_semaphore, #tpu.memory_space<semaphore_mem>>
      %dma_start3A = arith.constant 0 : i32
      %dma_start3A_56 = tpu.memref_slice %arg18[%add3A_43, %dma_start3A] : memref<10240x16xf32, #tpu.memory_space<vmem_shared>> -> memref<128x16xf32, #tpu.memory_space<vmem_shared>>
      %dma_start3A_57 = arith.constant 0 : i32
      %dma_start3A_58 = tpu.memref_slice %arg18[%add3A_43, %dma_start3A_57] : memref<10240x16xf32, #tpu.memory_space<vmem_shared>> -> memref<128x16xf32, #tpu.memory_space<vmem_shared>>
      tpu.enqueue_dma source(%dma_start3A_58 : memref<128x16xf32, #tpu.memory_space<vmem_shared>>) target(%arg16 : memref<128x16xf32, #tpu.memory_space<vmem>>) target_semaphore(%run_scoped3A : memref<!tpu.dma_semaphore, #tpu.memory_space<semaphore_mem>>)
      %dma_wait3A = arith.constant 0 : i32
      %dma_wait3A_59 = tpu.memref_slice %arg18[%add3A_43, %dma_wait3A] : memref<10240x16xf32, #tpu.memory_space<vmem_shared>> -> memref<128x16xf32, #tpu.memory_space<vmem_shared>>
      %dma_wait3A_60 = arith.constant 0 : i32
      %dma_wait3A_61 = tpu.memref_slice %arg18[%add3A_43, %dma_wait3A_60] : memref<10240x16xf32, #tpu.memory_space<vmem_shared>> -> memref<128x16xf32, #tpu.memory_space<vmem_shared>>
      tpu.wait_dma2 semaphore(%run_scoped3A : memref<!tpu.dma_semaphore, #tpu.memory_space<semaphore_mem>>) src(%dma_wait3A_61 : memref<128x16xf32, #tpu.memory_space<vmem_shared>>) dst(%arg16 : memref<128x16xf32, #tpu.memory_space<vmem>>)
      tpu.yield
    }) : () -> ()
    "tpu.region"() ({
      %run_scoped3A = tpu.sem_alloc : memref<!tpu.dma_semaphore, #tpu.memory_space<semaphore_mem>>
      %dma_start3A = arith.constant 0 : i32
      %dma_start3A_56 = tpu.memref_slice %arg8[%arg0, %add3A_43, %dma_start3A] : memref<2x10240x16xf32, #tpu.memory_space<hbm>> -> memref<1x128x16xf32, #tpu.memory_space<hbm>>
      %dma_start3A_57 = tpu.memref_squeeze %dma_start3A_56 : memref<1x128x16xf32, #tpu.memory_space<hbm>> -> memref<128x16xf32, #tpu.memory_space<hbm>>
      %dma_start3A_58 = arith.constant 0 : i32
      %dma_start3A_59 = tpu.memref_slice %arg8[%arg0, %add3A_43, %dma_start3A_58] : memref<2x10240x16xf32, #tpu.memory_space<hbm>> -> memref<1x128x16xf32, #tpu.memory_space<hbm>>
      %dma_start3A_60 = tpu.memref_squeeze %dma_start3A_59 : memref<1x128x16xf32, #tpu.memory_space<hbm>> -> memref<128x16xf32, #tpu.memory_space<hbm>>
      tpu.enqueue_dma source(%arg16 : memref<128x16xf32, #tpu.memory_space<vmem>>) target(%dma_start3A_60 : memref<128x16xf32, #tpu.memory_space<hbm>>) target_semaphore(%run_scoped3A : memref<!tpu.dma_semaphore, #tpu.memory_space<semaphore_mem>>)
      %dma_wait3A = arith.constant 0 : i32
      %dma_wait3A_61 = tpu.memref_slice %arg8[%arg0, %add3A_43, %dma_wait3A] : memref<2x10240x16xf32, #tpu.memory_space<hbm>> -> memref<1x128x16xf32, #tpu.memory_space<hbm>>
      %dma_wait3A_62 = tpu.memref_squeeze %dma_wait3A_61 : memref<1x128x16xf32, #tpu.memory_space<hbm>> -> memref<128x16xf32, #tpu.memory_space<hbm>>
      %dma_wait3A_63 = arith.constant 0 : i32
      %dma_wait3A_64 = tpu.memref_slice %arg8[%arg0, %add3A_43, %dma_wait3A_63] : memref<2x10240x16xf32, #tpu.memory_space<hbm>> -> memref<1x128x16xf32, #tpu.memory_space<hbm>>
      %dma_wait3A_65 = tpu.memref_squeeze %dma_wait3A_64 : memref<1x128x16xf32, #tpu.memory_space<hbm>> -> memref<128x16xf32, #tpu.memory_space<hbm>>
      tpu.wait_dma2 semaphore(%run_scoped3A : memref<!tpu.dma_semaphore, #tpu.memory_space<semaphore_mem>>) src(%arg16 : memref<128x16xf32, #tpu.memory_space<vmem>>) dst(%dma_wait3A_65 : memref<128x16xf32, #tpu.memory_space<hbm>>)
      tpu.yield
    }) : () -> ()
    %mul3A_44 = arith.constant 640 : i32
    %mul3A_45 = arith.muli %arg1, %mul3A_44 : i32
    %add3A_46 = arith.constant 256 : i32
    %add3A_47 = arith.addi %mul3A_45, %add3A_46 : i32
    "tpu.region"() ({
      %run_scoped3A = tpu.sem_alloc : memref<!tpu.dma_semaphore, #tpu.memory_space<semaphore_mem>>
      %dma_start3A = arith.constant 0 : i32
      %dma_start3A_56 = tpu.memref_slice %arg17[%add3A_47, %dma_start3A] : memref<10240x128xf32, #tpu.memory_space<vmem_shared>> -> memref<128x128xf32, #tpu.memory_space<vmem_shared>>
      %dma_start3A_57 = arith.constant 0 : i32
      %dma_start3A_58 = tpu.memref_slice %arg17[%add3A_47, %dma_start3A_57] : memref<10240x128xf32, #tpu.memory_space<vmem_shared>> -> memref<128x128xf32, #tpu.memory_space<vmem_shared>>
      tpu.enqueue_dma source(%dma_start3A_58 : memref<128x128xf32, #tpu.memory_space<vmem_shared>>) target(%arg15 : memref<128x128xf32, #tpu.memory_space<vmem>>) target_semaphore(%run_scoped3A : memref<!tpu.dma_semaphore, #tpu.memory_space<semaphore_mem>>)
      %dma_wait3A = arith.constant 0 : i32
      %dma_wait3A_59 = tpu.memref_slice %arg17[%add3A_47, %dma_wait3A] : memref<10240x128xf32, #tpu.memory_space<vmem_shared>> -> memref<128x128xf32, #tpu.memory_space<vmem_shared>>
      %dma_wait3A_60 = arith.constant 0 : i32
      %dma_wait3A_61 = tpu.memref_slice %arg17[%add3A_47, %dma_wait3A_60] : memref<10240x128xf32, #tpu.memory_space<vmem_shared>> -> memref<128x128xf32, #tpu.memory_space<vmem_shared>>
      tpu.wait_dma2 semaphore(%run_scoped3A : memref<!tpu.dma_semaphore, #tpu.memory_space<semaphore_mem>>) src(%dma_wait3A_61 : memref<128x128xf32, #tpu.memory_space<vmem_shared>>) dst(%arg15 : memref<128x128xf32, #tpu.memory_space<vmem>>)
      tpu.yield
    }) : () -> ()
    "tpu.region"() ({
      %run_scoped3A = tpu.sem_alloc : memref<!tpu.dma_semaphore, #tpu.memory_space<semaphore_mem>>
      %dma_start3A = arith.constant 0 : i32
      %dma_start3A_56 = tpu.memref_slice %arg7[%arg0, %add3A_47, %dma_start3A] : memref<2x10240x128xf32, #tpu.memory_space<hbm>> -> memref<1x128x128xf32, #tpu.memory_space<hbm>>
      %dma_start3A_57 = tpu.memref_squeeze %dma_start3A_56 : memref<1x128x128xf32, #tpu.memory_space<hbm>> -> memref<128x128xf32, #tpu.memory_space<hbm>>
      %dma_start3A_58 = arith.constant 0 : i32
      %dma_start3A_59 = tpu.memref_slice %arg7[%arg0, %add3A_47, %dma_start3A_58] : memref<2x10240x128xf32, #tpu.memory_space<hbm>> -> memref<1x128x128xf32, #tpu.memory_space<hbm>>
      %dma_start3A_60 = tpu.memref_squeeze %dma_start3A_59 : memref<1x128x128xf32, #tpu.memory_space<hbm>> -> memref<128x128xf32, #tpu.memory_space<hbm>>
      tpu.enqueue_dma source(%arg15 : memref<128x128xf32, #tpu.memory_space<vmem>>) target(%dma_start3A_60 : memref<128x128xf32, #tpu.memory_space<hbm>>) target_semaphore(%run_scoped3A : memref<!tpu.dma_semaphore, #tpu.memory_space<semaphore_mem>>)
      %dma_wait3A = arith.constant 0 : i32
      %dma_wait3A_61 = tpu.memref_slice %arg7[%arg0, %add3A_47, %dma_wait3A] : memref<2x10240x128xf32, #tpu.memory_space<hbm>> -> memref<1x128x128xf32, #tpu.memory_space<hbm>>
      %dma_wait3A_62 = tpu.memref_squeeze %dma_wait3A_61 : memref<1x128x128xf32, #tpu.memory_space<hbm>> -> memref<128x128xf32, #tpu.memory_space<hbm>>
      %dma_wait3A_63 = arith.constant 0 : i32
      %dma_wait3A_64 = tpu.memref_slice %arg7[%arg0, %add3A_47, %dma_wait3A_63] : memref<2x10240x128xf32, #tpu.memory_space<hbm>> -> memref<1x128x128xf32, #tpu.memory_space<hbm>>
      %dma_wait3A_65 = tpu.memref_squeeze %dma_wait3A_64 : memref<1x128x128xf32, #tpu.memory_space<hbm>> -> memref<128x128xf32, #tpu.memory_space<hbm>>
      tpu.wait_dma2 semaphore(%run_scoped3A : memref<!tpu.dma_semaphore, #tpu.memory_space<semaphore_mem>>) src(%arg15 : memref<128x128xf32, #tpu.memory_space<vmem>>) dst(%dma_wait3A_65 : memref<128x128xf32, #tpu.memory_space<hbm>>)
      tpu.yield
    }) : () -> ()
    "tpu.region"() ({
      %run_scoped3A = tpu.sem_alloc : memref<!tpu.dma_semaphore, #tpu.memory_space<semaphore_mem>>
      %dma_start3A = arith.constant 0 : i32
      %dma_start3A_56 = tpu.memref_slice %arg18[%add3A_47, %dma_start3A] : memref<10240x16xf32, #tpu.memory_space<vmem_shared>> -> memref<128x16xf32, #tpu.memory_space<vmem_shared>>
      %dma_start3A_57 = arith.constant 0 : i32
      %dma_start3A_58 = tpu.memref_slice %arg18[%add3A_47, %dma_start3A_57] : memref<10240x16xf32, #tpu.memory_space<vmem_shared>> -> memref<128x16xf32, #tpu.memory_space<vmem_shared>>
      tpu.enqueue_dma source(%dma_start3A_58 : memref<128x16xf32, #tpu.memory_space<vmem_shared>>) target(%arg16 : memref<128x16xf32, #tpu.memory_space<vmem>>) target_semaphore(%run_scoped3A : memref<!tpu.dma_semaphore, #tpu.memory_space<semaphore_mem>>)
      %dma_wait3A = arith.constant 0 : i32
      %dma_wait3A_59 = tpu.memref_slice %arg18[%add3A_47, %dma_wait3A] : memref<10240x16xf32, #tpu.memory_space<vmem_shared>> -> memref<128x16xf32, #tpu.memory_space<vmem_shared>>
      %dma_wait3A_60 = arith.constant 0 : i32
      %dma_wait3A_61 = tpu.memref_slice %arg18[%add3A_47, %dma_wait3A_60] : memref<10240x16xf32, #tpu.memory_space<vmem_shared>> -> memref<128x16xf32, #tpu.memory_space<vmem_shared>>
      tpu.wait_dma2 semaphore(%run_scoped3A : memref<!tpu.dma_semaphore, #tpu.memory_space<semaphore_mem>>) src(%dma_wait3A_61 : memref<128x16xf32, #tpu.memory_space<vmem_shared>>) dst(%arg16 : memref<128x16xf32, #tpu.memory_space<vmem>>)
      tpu.yield
    }) : () -> ()
    "tpu.region"() ({
      %run_scoped3A = tpu.sem_alloc : memref<!tpu.dma_semaphore, #tpu.memory_space<semaphore_mem>>
      %dma_start3A = arith.constant 0 : i32
      %dma_start3A_56 = tpu.memref_slice %arg8[%arg0, %add3A_47, %dma_start3A] : memref<2x10240x16xf32, #tpu.memory_space<hbm>> -> memref<1x128x16xf32, #tpu.memory_space<hbm>>
      %dma_start3A_57 = tpu.memref_squeeze %dma_start3A_56 : memref<1x128x16xf32, #tpu.memory_space<hbm>> -> memref<128x16xf32, #tpu.memory_space<hbm>>
      %dma_start3A_58 = arith.constant 0 : i32
      %dma_start3A_59 = tpu.memref_slice %arg8[%arg0, %add3A_47, %dma_start3A_58] : memref<2x10240x16xf32, #tpu.memory_space<hbm>> -> memref<1x128x16xf32, #tpu.memory_space<hbm>>
      %dma_start3A_60 = tpu.memref_squeeze %dma_start3A_59 : memref<1x128x16xf32, #tpu.memory_space<hbm>> -> memref<128x16xf32, #tpu.memory_space<hbm>>
      tpu.enqueue_dma source(%arg16 : memref<128x16xf32, #tpu.memory_space<vmem>>) target(%dma_start3A_60 : memref<128x16xf32, #tpu.memory_space<hbm>>) target_semaphore(%run_scoped3A : memref<!tpu.dma_semaphore, #tpu.memory_space<semaphore_mem>>)
      %dma_wait3A = arith.constant 0 : i32
      %dma_wait3A_61 = tpu.memref_slice %arg8[%arg0, %add3A_47, %dma_wait3A] : memref<2x10240x16xf32, #tpu.memory_space<hbm>> -> memref<1x128x16xf32, #tpu.memory_space<hbm>>
      %dma_wait3A_62 = tpu.memref_squeeze %dma_wait3A_61 : memref<1x128x16xf32, #tpu.memory_space<hbm>> -> memref<128x16xf32, #tpu.memory_space<hbm>>
      %dma_wait3A_63 = arith.constant 0 : i32
      %dma_wait3A_64 = tpu.memref_slice %arg8[%arg0, %add3A_47, %dma_wait3A_63] : memref<2x10240x16xf32, #tpu.memory_space<hbm>> -> memref<1x128x16xf32, #tpu.memory_space<hbm>>
      %dma_wait3A_65 = tpu.memref_squeeze %dma_wait3A_64 : memref<1x128x16xf32, #tpu.memory_space<hbm>> -> memref<128x16xf32, #tpu.memory_space<hbm>>
      tpu.wait_dma2 semaphore(%run_scoped3A : memref<!tpu.dma_semaphore, #tpu.memory_space<semaphore_mem>>) src(%arg16 : memref<128x16xf32, #tpu.memory_space<vmem>>) dst(%dma_wait3A_65 : memref<128x16xf32, #tpu.memory_space<hbm>>)
      tpu.yield
    }) : () -> ()
    %mul3A_48 = arith.constant 640 : i32
    %mul3A_49 = arith.muli %arg1, %mul3A_48 : i32
    %add3A_50 = arith.constant 384 : i32
    %add3A_51 = arith.addi %mul3A_49, %add3A_50 : i32
    "tpu.region"() ({
      %run_scoped3A = tpu.sem_alloc : memref<!tpu.dma_semaphore, #tpu.memory_space<semaphore_mem>>
      %dma_start3A = arith.constant 0 : i32
      %dma_start3A_56 = tpu.memref_slice %arg17[%add3A_51, %dma_start3A] : memref<10240x128xf32, #tpu.memory_space<vmem_shared>> -> memref<128x128xf32, #tpu.memory_space<vmem_shared>>
      %dma_start3A_57 = arith.constant 0 : i32
      %dma_start3A_58 = tpu.memref_slice %arg17[%add3A_51, %dma_start3A_57] : memref<10240x128xf32, #tpu.memory_space<vmem_shared>> -> memref<128x128xf32, #tpu.memory_space<vmem_shared>>
      tpu.enqueue_dma source(%dma_start3A_58 : memref<128x128xf32, #tpu.memory_space<vmem_shared>>) target(%arg15 : memref<128x128xf32, #tpu.memory_space<vmem>>) target_semaphore(%run_scoped3A : memref<!tpu.dma_semaphore, #tpu.memory_space<semaphore_mem>>)
      %dma_wait3A = arith.constant 0 : i32
      %dma_wait3A_59 = tpu.memref_slice %arg17[%add3A_51, %dma_wait3A] : memref<10240x128xf32, #tpu.memory_space<vmem_shared>> -> memref<128x128xf32, #tpu.memory_space<vmem_shared>>
      %dma_wait3A_60 = arith.constant 0 : i32
      %dma_wait3A_61 = tpu.memref_slice %arg17[%add3A_51, %dma_wait3A_60] : memref<10240x128xf32, #tpu.memory_space<vmem_shared>> -> memref<128x128xf32, #tpu.memory_space<vmem_shared>>
      tpu.wait_dma2 semaphore(%run_scoped3A : memref<!tpu.dma_semaphore, #tpu.memory_space<semaphore_mem>>) src(%dma_wait3A_61 : memref<128x128xf32, #tpu.memory_space<vmem_shared>>) dst(%arg15 : memref<128x128xf32, #tpu.memory_space<vmem>>)
      tpu.yield
    }) : () -> ()
    "tpu.region"() ({
      %run_scoped3A = tpu.sem_alloc : memref<!tpu.dma_semaphore, #tpu.memory_space<semaphore_mem>>
      %dma_start3A = arith.constant 0 : i32
      %dma_start3A_56 = tpu.memref_slice %arg7[%arg0, %add3A_51, %dma_start3A] : memref<2x10240x128xf32, #tpu.memory_space<hbm>> -> memref<1x128x128xf32, #tpu.memory_space<hbm>>
      %dma_start3A_57 = tpu.memref_squeeze %dma_start3A_56 : memref<1x128x128xf32, #tpu.memory_space<hbm>> -> memref<128x128xf32, #tpu.memory_space<hbm>>
      %dma_start3A_58 = arith.constant 0 : i32
      %dma_start3A_59 = tpu.memref_slice %arg7[%arg0, %add3A_51, %dma_start3A_58] : memref<2x10240x128xf32, #tpu.memory_space<hbm>> -> memref<1x128x128xf32, #tpu.memory_space<hbm>>
      %dma_start3A_60 = tpu.memref_squeeze %dma_start3A_59 : memref<1x128x128xf32, #tpu.memory_space<hbm>> -> memref<128x128xf32, #tpu.memory_space<hbm>>
      tpu.enqueue_dma source(%arg15 : memref<128x128xf32, #tpu.memory_space<vmem>>) target(%dma_start3A_60 : memref<128x128xf32, #tpu.memory_space<hbm>>) target_semaphore(%run_scoped3A : memref<!tpu.dma_semaphore, #tpu.memory_space<semaphore_mem>>)
      %dma_wait3A = arith.constant 0 : i32
      %dma_wait3A_61 = tpu.memref_slice %arg7[%arg0, %add3A_51, %dma_wait3A] : memref<2x10240x128xf32, #tpu.memory_space<hbm>> -> memref<1x128x128xf32, #tpu.memory_space<hbm>>
      %dma_wait3A_62 = tpu.memref_squeeze %dma_wait3A_61 : memref<1x128x128xf32, #tpu.memory_space<hbm>> -> memref<128x128xf32, #tpu.memory_space<hbm>>
      %dma_wait3A_63 = arith.constant 0 : i32
      %dma_wait3A_64 = tpu.memref_slice %arg7[%arg0, %add3A_51, %dma_wait3A_63] : memref<2x10240x128xf32, #tpu.memory_space<hbm>> -> memref<1x128x128xf32, #tpu.memory_space<hbm>>
      %dma_wait3A_65 = tpu.memref_squeeze %dma_wait3A_64 : memref<1x128x128xf32, #tpu.memory_space<hbm>> -> memref<128x128xf32, #tpu.memory_space<hbm>>
      tpu.wait_dma2 semaphore(%run_scoped3A : memref<!tpu.dma_semaphore, #tpu.memory_space<semaphore_mem>>) src(%arg15 : memref<128x128xf32, #tpu.memory_space<vmem>>) dst(%dma_wait3A_65 : memref<128x128xf32, #tpu.memory_space<hbm>>)
      tpu.yield
    }) : () -> ()
    "tpu.region"() ({
      %run_scoped3A = tpu.sem_alloc : memref<!tpu.dma_semaphore, #tpu.memory_space<semaphore_mem>>
      %dma_start3A = arith.constant 0 : i32
      %dma_start3A_56 = tpu.memref_slice %arg18[%add3A_51, %dma_start3A] : memref<10240x16xf32, #tpu.memory_space<vmem_shared>> -> memref<128x16xf32, #tpu.memory_space<vmem_shared>>
      %dma_start3A_57 = arith.constant 0 : i32
      %dma_start3A_58 = tpu.memref_slice %arg18[%add3A_51, %dma_start3A_57] : memref<10240x16xf32, #tpu.memory_space<vmem_shared>> -> memref<128x16xf32, #tpu.memory_space<vmem_shared>>
      tpu.enqueue_dma source(%dma_start3A_58 : memref<128x16xf32, #tpu.memory_space<vmem_shared>>) target(%arg16 : memref<128x16xf32, #tpu.memory_space<vmem>>) target_semaphore(%run_scoped3A : memref<!tpu.dma_semaphore, #tpu.memory_space<semaphore_mem>>)
      %dma_wait3A = arith.constant 0 : i32
      %dma_wait3A_59 = tpu.memref_slice %arg18[%add3A_51, %dma_wait3A] : memref<10240x16xf32, #tpu.memory_space<vmem_shared>> -> memref<128x16xf32, #tpu.memory_space<vmem_shared>>
      %dma_wait3A_60 = arith.constant 0 : i32
      %dma_wait3A_61 = tpu.memref_slice %arg18[%add3A_51, %dma_wait3A_60] : memref<10240x16xf32, #tpu.memory_space<vmem_shared>> -> memref<128x16xf32, #tpu.memory_space<vmem_shared>>
      tpu.wait_dma2 semaphore(%run_scoped3A : memref<!tpu.dma_semaphore, #tpu.memory_space<semaphore_mem>>) src(%dma_wait3A_61 : memref<128x16xf32, #tpu.memory_space<vmem_shared>>) dst(%arg16 : memref<128x16xf32, #tpu.memory_space<vmem>>)
      tpu.yield
    }) : () -> ()
    "tpu.region"() ({
      %run_scoped3A = tpu.sem_alloc : memref<!tpu.dma_semaphore, #tpu.memory_space<semaphore_mem>>
      %dma_start3A = arith.constant 0 : i32
      %dma_start3A_56 = tpu.memref_slice %arg8[%arg0, %add3A_51, %dma_start3A] : memref<2x10240x16xf32, #tpu.memory_space<hbm>> -> memref<1x128x16xf32, #tpu.memory_space<hbm>>
      %dma_start3A_57 = tpu.memref_squeeze %dma_start3A_56 : memref<1x128x16xf32, #tpu.memory_space<hbm>> -> memref<128x16xf32, #tpu.memory_space<hbm>>
      %dma_start3A_58 = arith.constant 0 : i32
      %dma_start3A_59 = tpu.memref_slice %arg8[%arg0, %add3A_51, %dma_start3A_58] : memref<2x10240x16xf32, #tpu.memory_space<hbm>> -> memref<1x128x16xf32, #tpu.memory_space<hbm>>
      %dma_start3A_60 = tpu.memref_squeeze %dma_start3A_59 : memref<1x128x16xf32, #tpu.memory_space<hbm>> -> memref<128x16xf32, #tpu.memory_space<hbm>>
      tpu.enqueue_dma source(%arg16 : memref<128x16xf32, #tpu.memory_space<vmem>>) target(%dma_start3A_60 : memref<128x16xf32, #tpu.memory_space<hbm>>) target_semaphore(%run_scoped3A : memref<!tpu.dma_semaphore, #tpu.memory_space<semaphore_mem>>)
      %dma_wait3A = arith.constant 0 : i32
      %dma_wait3A_61 = tpu.memref_slice %arg8[%arg0, %add3A_51, %dma_wait3A] : memref<2x10240x16xf32, #tpu.memory_space<hbm>> -> memref<1x128x16xf32, #tpu.memory_space<hbm>>
      %dma_wait3A_62 = tpu.memref_squeeze %dma_wait3A_61 : memref<1x128x16xf32, #tpu.memory_space<hbm>> -> memref<128x16xf32, #tpu.memory_space<hbm>>
      %dma_wait3A_63 = arith.constant 0 : i32
      %dma_wait3A_64 = tpu.memref_slice %arg8[%arg0, %add3A_51, %dma_wait3A_63] : memref<2x10240x16xf32, #tpu.memory_space<hbm>> -> memref<1x128x16xf32, #tpu.memory_space<hbm>>
      %dma_wait3A_65 = tpu.memref_squeeze %dma_wait3A_64 : memref<1x128x16xf32, #tpu.memory_space<hbm>> -> memref<128x16xf32, #tpu.memory_space<hbm>>
      tpu.wait_dma2 semaphore(%run_scoped3A : memref<!tpu.dma_semaphore, #tpu.memory_space<semaphore_mem>>) src(%arg16 : memref<128x16xf32, #tpu.memory_space<vmem>>) dst(%dma_wait3A_65 : memref<128x16xf32, #tpu.memory_space<hbm>>)
      tpu.yield
    }) : () -> ()
    %mul3A_52 = arith.constant 640 : i32
    %mul3A_53 = arith.muli %arg1, %mul3A_52 : i32
    %add3A_54 = arith.constant 512 : i32
    %add3A_55 = arith.addi %mul3A_53, %add3A_54 : i32
    "tpu.region"() ({
      %run_scoped3A = tpu.sem_alloc : memref<!tpu.dma_semaphore, #tpu.memory_space<semaphore_mem>>
      %dma_start3A = arith.constant 0 : i32
      %dma_start3A_56 = tpu.memref_slice %arg17[%add3A_55, %dma_start3A] : memref<10240x128xf32, #tpu.memory_space<vmem_shared>> -> memref<128x128xf32, #tpu.memory_space<vmem_shared>>
      %dma_start3A_57 = arith.constant 0 : i32
      %dma_start3A_58 = tpu.memref_slice %arg17[%add3A_55, %dma_start3A_57] : memref<10240x128xf32, #tpu.memory_space<vmem_shared>> -> memref<128x128xf32, #tpu.memory_space<vmem_shared>>
      tpu.enqueue_dma source(%dma_start3A_58 : memref<128x128xf32, #tpu.memory_space<vmem_shared>>) target(%arg15 : memref<128x128xf32, #tpu.memory_space<vmem>>) target_semaphore(%run_scoped3A : memref<!tpu.dma_semaphore, #tpu.memory_space<semaphore_mem>>)
      %dma_wait3A = arith.constant 0 : i32
      %dma_wait3A_59 = tpu.memref_slice %arg17[%add3A_55, %dma_wait3A] : memref<10240x128xf32, #tpu.memory_space<vmem_shared>> -> memref<128x128xf32, #tpu.memory_space<vmem_shared>>
      %dma_wait3A_60 = arith.constant 0 : i32
      %dma_wait3A_61 = tpu.memref_slice %arg17[%add3A_55, %dma_wait3A_60] : memref<10240x128xf32, #tpu.memory_space<vmem_shared>> -> memref<128x128xf32, #tpu.memory_space<vmem_shared>>
      tpu.wait_dma2 semaphore(%run_scoped3A : memref<!tpu.dma_semaphore, #tpu.memory_space<semaphore_mem>>) src(%dma_wait3A_61 : memref<128x128xf32, #tpu.memory_space<vmem_shared>>) dst(%arg15 : memref<128x128xf32, #tpu.memory_space<vmem>>)
      tpu.yield
    }) : () -> ()
    "tpu.region"() ({
      %run_scoped3A = tpu.sem_alloc : memref<!tpu.dma_semaphore, #tpu.memory_space<semaphore_mem>>
      %dma_start3A = arith.constant 0 : i32
      %dma_start3A_56 = tpu.memref_slice %arg7[%arg0, %add3A_55, %dma_start3A] : memref<2x10240x128xf32, #tpu.memory_space<hbm>> -> memref<1x128x128xf32, #tpu.memory_space<hbm>>
      %dma_start3A_57 = tpu.memref_squeeze %dma_start3A_56 : memref<1x128x128xf32, #tpu.memory_space<hbm>> -> memref<128x128xf32, #tpu.memory_space<hbm>>
      %dma_start3A_58 = arith.constant 0 : i32
      %dma_start3A_59 = tpu.memref_slice %arg7[%arg0, %add3A_55, %dma_start3A_58] : memref<2x10240x128xf32, #tpu.memory_space<hbm>> -> memref<1x128x128xf32, #tpu.memory_space<hbm>>
      %dma_start3A_60 = tpu.memref_squeeze %dma_start3A_59 : memref<1x128x128xf32, #tpu.memory_space<hbm>> -> memref<128x128xf32, #tpu.memory_space<hbm>>
      tpu.enqueue_dma source(%arg15 : memref<128x128xf32, #tpu.memory_space<vmem>>) target(%dma_start3A_60 : memref<128x128xf32, #tpu.memory_space<hbm>>) target_semaphore(%run_scoped3A : memref<!tpu.dma_semaphore, #tpu.memory_space<semaphore_mem>>)
      %dma_wait3A = arith.constant 0 : i32
      %dma_wait3A_61 = tpu.memref_slice %arg7[%arg0, %add3A_55, %dma_wait3A] : memref<2x10240x128xf32, #tpu.memory_space<hbm>> -> memref<1x128x128xf32, #tpu.memory_space<hbm>>
      %dma_wait3A_62 = tpu.memref_squeeze %dma_wait3A_61 : memref<1x128x128xf32, #tpu.memory_space<hbm>> -> memref<128x128xf32, #tpu.memory_space<hbm>>
      %dma_wait3A_63 = arith.constant 0 : i32
      %dma_wait3A_64 = tpu.memref_slice %arg7[%arg0, %add3A_55, %dma_wait3A_63] : memref<2x10240x128xf32, #tpu.memory_space<hbm>> -> memref<1x128x128xf32, #tpu.memory_space<hbm>>
      %dma_wait3A_65 = tpu.memref_squeeze %dma_wait3A_64 : memref<1x128x128xf32, #tpu.memory_space<hbm>> -> memref<128x128xf32, #tpu.memory_space<hbm>>
      tpu.wait_dma2 semaphore(%run_scoped3A : memref<!tpu.dma_semaphore, #tpu.memory_space<semaphore_mem>>) src(%arg15 : memref<128x128xf32, #tpu.memory_space<vmem>>) dst(%dma_wait3A_65 : memref<128x128xf32, #tpu.memory_space<hbm>>)
      tpu.yield
    }) : () -> ()
    "tpu.region"() ({
      %run_scoped3A = tpu.sem_alloc : memref<!tpu.dma_semaphore, #tpu.memory_space<semaphore_mem>>
      %dma_start3A = arith.constant 0 : i32
      %dma_start3A_56 = tpu.memref_slice %arg18[%add3A_55, %dma_start3A] : memref<10240x16xf32, #tpu.memory_space<vmem_shared>> -> memref<128x16xf32, #tpu.memory_space<vmem_shared>>
      %dma_start3A_57 = arith.constant 0 : i32
      %dma_start3A_58 = tpu.memref_slice %arg18[%add3A_55, %dma_start3A_57] : memref<10240x16xf32, #tpu.memory_space<vmem_shared>> -> memref<128x16xf32, #tpu.memory_space<vmem_shared>>
      tpu.enqueue_dma source(%dma_start3A_58 : memref<128x16xf32, #tpu.memory_space<vmem_shared>>) target(%arg16 : memref<128x16xf32, #tpu.memory_space<vmem>>) target_semaphore(%run_scoped3A : memref<!tpu.dma_semaphore, #tpu.memory_space<semaphore_mem>>)
      %dma_wait3A = arith.constant 0 : i32
      %dma_wait3A_59 = tpu.memref_slice %arg18[%add3A_55, %dma_wait3A] : memref<10240x16xf32, #tpu.memory_space<vmem_shared>> -> memref<128x16xf32, #tpu.memory_space<vmem_shared>>
      %dma_wait3A_60 = arith.constant 0 : i32
      %dma_wait3A_61 = tpu.memref_slice %arg18[%add3A_55, %dma_wait3A_60] : memref<10240x16xf32, #tpu.memory_space<vmem_shared>> -> memref<128x16xf32, #tpu.memory_space<vmem_shared>>
      tpu.wait_dma2 semaphore(%run_scoped3A : memref<!tpu.dma_semaphore, #tpu.memory_space<semaphore_mem>>) src(%dma_wait3A_61 : memref<128x16xf32, #tpu.memory_space<vmem_shared>>) dst(%arg16 : memref<128x16xf32, #tpu.memory_space<vmem>>)
      tpu.yield
    }) : () -> ()
    "tpu.region"() ({
      %run_scoped3A = tpu.sem_alloc : memref<!tpu.dma_semaphore, #tpu.memory_space<semaphore_mem>>
      %dma_start3A = arith.constant 0 : i32
      %dma_start3A_56 = tpu.memref_slice %arg8[%arg0, %add3A_55, %dma_start3A] : memref<2x10240x16xf32, #tpu.memory_space<hbm>> -> memref<1x128x16xf32, #tpu.memory_space<hbm>>
      %dma_start3A_57 = tpu.memref_squeeze %dma_start3A_56 : memref<1x128x16xf32, #tpu.memory_space<hbm>> -> memref<128x16xf32, #tpu.memory_space<hbm>>
      %dma_start3A_58 = arith.constant 0 : i32
      %dma_start3A_59 = tpu.memref_slice %arg8[%arg0, %add3A_55, %dma_start3A_58] : memref<2x10240x16xf32, #tpu.memory_space<hbm>> -> memref<1x128x16xf32, #tpu.memory_space<hbm>>
      %dma_start3A_60 = tpu.memref_squeeze %dma_start3A_59 : memref<1x128x16xf32, #tpu.memory_space<hbm>> -> memref<128x16xf32, #tpu.memory_space<hbm>>
      tpu.enqueue_dma source(%arg16 : memref<128x16xf32, #tpu.memory_space<vmem>>) target(%dma_start3A_60 : memref<128x16xf32, #tpu.memory_space<hbm>>) target_semaphore(%run_scoped3A : memref<!tpu.dma_semaphore, #tpu.memory_space<semaphore_mem>>)
      %dma_wait3A = arith.constant 0 : i32
      %dma_wait3A_61 = tpu.memref_slice %arg8[%arg0, %add3A_55, %dma_wait3A] : memref<2x10240x16xf32, #tpu.memory_space<hbm>> -> memref<1x128x16xf32, #tpu.memory_space<hbm>>
      %dma_wait3A_62 = tpu.memref_squeeze %dma_wait3A_61 : memref<1x128x16xf32, #tpu.memory_space<hbm>> -> memref<128x16xf32, #tpu.memory_space<hbm>>
      %dma_wait3A_63 = arith.constant 0 : i32
      %dma_wait3A_64 = tpu.memref_slice %arg8[%arg0, %add3A_55, %dma_wait3A_63] : memref<2x10240x16xf32, #tpu.memory_space<hbm>> -> memref<1x128x16xf32, #tpu.memory_space<hbm>>
      %dma_wait3A_65 = tpu.memref_squeeze %dma_wait3A_64 : memref<1x128x16xf32, #tpu.memory_space<hbm>> -> memref<128x16xf32, #tpu.memory_space<hbm>>
      tpu.wait_dma2 semaphore(%run_scoped3A : memref<!tpu.dma_semaphore, #tpu.memory_space<semaphore_mem>>) src(%arg16 : memref<128x16xf32, #tpu.memory_space<vmem>>) dst(%dma_wait3A_65 : memref<128x16xf32, #tpu.memory_space<hbm>>)
      tpu.yield
    }) : () -> ()
    return
  }
}

module attributes {stable_mosaic.version = 14 : i64} {
  func.func @_pre_body(%arg0: memref<10000x128xf32, #tpu.memory_space<vmem>>, %arg1: memref<128x128xf32, #tpu.memory_space<vmem>>, %arg2: memref<1x128xf32, #tpu.memory_space<vmem>>, %arg3: memref<1x128xf32, #tpu.memory_space<vmem>>, %arg4: memref<128x8xf32, #tpu.memory_space<vmem>>, %arg5: memref<8x8xf32, #tpu.memory_space<vmem>>, %arg6: memref<10000x128xf32, #tpu.memory_space<vmem>>, %arg7: memref<10000x16xf32, #tpu.memory_space<vmem>>, %arg8: memref<10000x16xf32, #tpu.memory_space<vmem>>, %arg9: memref<10000x8xf32, #tpu.memory_space<vmem>>) attributes {dimension_semantics = [], scalar_prefetch = 0 : i64, scratch_operands = 0 : i64, tpu.core_type = #tpu.core_type<tc>} {
    %get3A = arith.constant 0 : index
    %get3A_0 = arith.constant 0 : index
    %get3A_1 = vector.load %arg0[%get3A, %get3A_0] : memref<10000x128xf32, #tpu.memory_space<vmem>>, vector<10000x128xf32>
    %get3A_2 = arith.constant 0 : index
    %get3A_3 = arith.constant 0 : index
    %get3A_4 = vector.load %arg1[%get3A_2, %get3A_3] : memref<128x128xf32, #tpu.memory_space<vmem>>, vector<128x128xf32>
    %dot_general3A = arith.constant dense<0.000000e+00> : vector<10000x128xf32>
    %dot_general3A_5 = tpu.matmul %get3A_1, %get3A_4, %dot_general3A {dimension_numbers = #tpu.dot_dimension_numbers<[1], [0], [0], [1], [0, 0, 1, 1], [], []>, transpose_lhs_hint = false} : vector<10000x128xf32>, vector<128x128xf32>, vector<10000x128xf32> -> vector<10000x128xf32>
    %swap3A = arith.constant 0 : index
    %swap3A_6 = arith.constant 0 : index
    %swap3A_7 = vector.load %arg6[%swap3A, %swap3A_6] : memref<10000x128xf32, #tpu.memory_space<vmem>>, vector<10000x128xf32>
    tpu.vector_store %arg6[%swap3A, %swap3A_6], %dot_general3A_5 {strides = array<i32>} : memref<10000x128xf32, #tpu.memory_space<vmem>>, vector<10000x128xf32>,
    %get3A_8 = arith.constant 0 : index
    %get3A_9 = arith.constant 0 : index
    %get3A_10 = vector.load %arg4[%get3A_8, %get3A_9] : memref<128x8xf32, #tpu.memory_space<vmem>>, vector<128x8xf32>
    %get3A_11 = arith.constant 0 : index
    %get3A_12 = arith.constant 0 : index
    %get3A_13 = vector.load %arg2[%get3A_11, %get3A_12] : memref<1x128xf32, #tpu.memory_space<vmem>>, vector<1x128xf32>
    %mul3A = vector.broadcast %get3A_13 : vector<1x128xf32> to vector<10000x128xf32>
    %mul3A_14 = arith.mulf %dot_general3A_5, %mul3A : vector<10000x128xf32>
    %dot_general3A_15 = arith.constant dense<0.000000e+00> : vector<10000x8xf32>
    %dot_general3A_16 = tpu.matmul %mul3A_14, %get3A_10, %dot_general3A_15 {dimension_numbers = #tpu.dot_dimension_numbers<[1], [0], [0], [1], [0, 0, 1, 1], [], []>, transpose_lhs_hint = false} : vector<10000x128xf32>, vector<128x8xf32>, vector<10000x8xf32> -> vector<10000x8xf32>
    %get3A_17 = arith.constant 0 : index
    %get3A_18 = arith.constant 0 : index
    %get3A_19 = vector.load %arg3[%get3A_17, %get3A_18] : memref<1x128xf32, #tpu.memory_space<vmem>>, vector<1x128xf32>
    %mul3A_20 = vector.broadcast %get3A_19 : vector<1x128xf32> to vector<10000x128xf32>
    %mul3A_21 = arith.mulf %dot_general3A_5, %mul3A_20 : vector<10000x128xf32>
    %dot_general3A_22 = arith.constant dense<0.000000e+00> : vector<10000x8xf32>
    %dot_general3A_23 = tpu.matmul %mul3A_21, %get3A_10, %dot_general3A_22 {dimension_numbers = #tpu.dot_dimension_numbers<[1], [0], [0], [1], [0, 0, 1, 1], [], []>, transpose_lhs_hint = false} : vector<10000x128xf32>, vector<128x8xf32>, vector<10000x8xf32> -> vector<10000x8xf32>
    %reduce_max3A = arith.constant dense<0xFF800000> : vector<8xf32>
    %reduce_max3A_24 = vector.multi_reduction <maximumf>, %dot_general3A_16, %reduce_max3A [0] : vector<10000x8xf32> to vector<8xf32>
    %broadcast_in_dim3A = vector.shape_cast %reduce_max3A_24 : vector<8xf32> to vector<1x8xf32>
    %add3A = vector.broadcast %broadcast_in_dim3A : vector<1x8xf32> to vector<10000x8xf32>
    %add3A_25 = arith.addf %add3A, %dot_general3A_23 : vector<10000x8xf32>
    %ge3A = arith.constant 0.000000e+00 : f32
    %ge3A_26 = vector.broadcast %ge3A : f32 to vector<10000x8xf32>
    %ge3A_27 = arith.cmpf oge, %add3A_25, %ge3A_26 : vector<10000x8xf32>
    %mul3A_28 = arith.constant 2.000000e-01 : f32
    %mul3A_29 = vector.broadcast %mul3A_28 : f32 to vector<10000x8xf32>
    %mul3A_30 = arith.mulf %add3A_25, %mul3A_29 : vector<10000x8xf32>
    %select_n3A = arith.select %ge3A_27, %add3A_25, %mul3A_30 : vector<10000x8xi1>, vector<10000x8xf32>
    %get3A_31 = arith.constant 0 : index
    %get3A_32 = arith.constant 0 : index
    %get3A_33 = vector.load %arg5[%get3A_31, %get3A_32] : memref<8x8xf32, #tpu.memory_space<vmem>>, vector<8x8xf32>
    %dot_general3A_34 = arith.constant dense<0.000000e+00> : vector<10000x8xf32>
    %dot_general3A_35 = tpu.matmul %select_n3A, %get3A_33, %dot_general3A_34 {dimension_numbers = #tpu.dot_dimension_numbers<[1], [0], [0], [1], [0, 0, 1, 1], [], []>, transpose_lhs_hint = false} : vector<10000x8xf32>, vector<8x8xf32>, vector<10000x8xf32> -> vector<10000x8xf32>
    %concatenate3A = tpu.concatenate %dot_general3A_16, %dot_general3A_16 in 1 : vector<10000x8xf32>, vector<10000x8xf32> -> vector<10000x16xf32>
    %swap3A_36 = arith.constant 0 : index
    %swap3A_37 = arith.constant 0 : index
    %swap3A_38 = vector.load %arg7[%swap3A_36, %swap3A_37] : memref<10000x16xf32, #tpu.memory_space<vmem>>, vector<10000x16xf32>
    tpu.vector_store %arg7[%swap3A_36, %swap3A_37], %concatenate3A {strides = array<i32>} : memref<10000x16xf32, #tpu.memory_space<vmem>>, vector<10000x16xf32>,
    %concatenate3A_39 = tpu.concatenate %dot_general3A_23, %dot_general3A_35 in 1 : vector<10000x8xf32>, vector<10000x8xf32> -> vector<10000x16xf32>
    %swap3A_40 = arith.constant 0 : index
    %swap3A_41 = arith.constant 0 : index
    %swap3A_42 = vector.load %arg8[%swap3A_40, %swap3A_41] : memref<10000x16xf32, #tpu.memory_space<vmem>>, vector<10000x16xf32>
    tpu.vector_store %arg8[%swap3A_40, %swap3A_41], %concatenate3A_39 {strides = array<i32>} : memref<10000x16xf32, #tpu.memory_space<vmem>>, vector<10000x16xf32>,
    %add3A_43 = arith.addf %dot_general3A_16, %dot_general3A_23 : vector<10000x8xf32>
    %ge3A_44 = arith.constant 0.000000e+00 : f32
    %ge3A_45 = vector.broadcast %ge3A_44 : f32 to vector<10000x8xf32>
    %ge3A_46 = arith.cmpf oge, %add3A_43, %ge3A_45 : vector<10000x8xf32>
    %mul3A_47 = arith.constant 2.000000e-01 : f32
    %mul3A_48 = vector.broadcast %mul3A_47 : f32 to vector<10000x8xf32>
    %mul3A_49 = arith.mulf %add3A_43, %mul3A_48 : vector<10000x8xf32>
    %select_n3A_50 = arith.select %ge3A_46, %add3A_43, %mul3A_49 : vector<10000x8xi1>, vector<10000x8xf32>
    %sub3A = arith.subf %select_n3A_50, %select_n3A : vector<10000x8xf32>
    %exp3A = math.exp %sub3A : vector<10000x8xf32>
    %swap3A_51 = arith.constant 0 : index
    %swap3A_52 = arith.constant 0 : index
    %swap3A_53 = vector.load %arg9[%swap3A_51, %swap3A_52] : memref<10000x8xf32, #tpu.memory_space<vmem>>, vector<10000x8xf32>
    tpu.vector_store %arg9[%swap3A_51, %swap3A_52], %exp3A {strides = array<i32>} : memref<10000x8xf32, #tpu.memory_space<vmem>>, vector<10000x8xf32>,
    return
  }
}

module attributes {stable_mosaic.version = 14 : i64} {
  func.func @_post_body(%arg0: memref<10000x128xf32, #tpu.memory_space<vmem>>, %arg1: memref<2x10240x128xf32, #tpu.memory_space<vmem>>, %arg2: memref<2x10240x16xf32, #tpu.memory_space<vmem>>, %arg3: memref<10000x8xf32, #tpu.memory_space<vmem>>, %arg4: memref<10000x128xf32, #tpu.memory_space<vmem>>, %arg5: memref<8x128xf32, #tpu.memory_space<vmem>>, %arg6: memref<1x128xf32, #tpu.memory_space<vmem>>, %arg7: memref<1x128xf32, #tpu.memory_space<vmem>>, %arg8: memref<1x128xf32, #tpu.memory_space<vmem>>, %arg9: memref<10000x128xf32, #tpu.memory_space<vmem>>) attributes {dimension_semantics = [], scalar_prefetch = 0 : i64, scratch_operands = 0 : i64, tpu.core_type = #tpu.core_type<tc>} {
    %get3A = arith.constant 0 : index
    %get3A_0 = arith.constant 0 : index
    %get3A_1 = vector.load %arg3[%get3A, %get3A_0] : memref<10000x8xf32, #tpu.memory_space<vmem>>, vector<10000x8xf32>
    %get3A_2 = arith.constant 0 : index
    %get3A_3 = arith.constant 0 : index
    %get3A_4 = vector.load %arg5[%get3A_2, %get3A_3] : memref<8x128xf32, #tpu.memory_space<vmem>>, vector<8x128xf32>
    %get3A_5 = arith.constant 0 : index
    %get3A_6 = arith.constant 0 : index
    %get3A_7 = arith.constant 0 : index
    %get3A_8 = vector.load %arg2[%get3A_5, %get3A_6, %get3A_7] : memref<2x10240x16xf32, #tpu.memory_space<vmem>>, vector<1x10000x8xf32>
    %get3A_9 = vector.shape_cast %get3A_8 : vector<1x10000x8xf32> to vector<10000x8xf32>
    %get3A_10 = arith.constant 1 : index
    %get3A_11 = arith.constant 0 : index
    %get3A_12 = arith.constant 0 : index
    %get3A_13 = vector.load %arg2[%get3A_10, %get3A_11, %get3A_12] : memref<2x10240x16xf32, #tpu.memory_space<vmem>>, vector<1x10000x8xf32>
    %get3A_14 = vector.shape_cast %get3A_13 : vector<1x10000x8xf32> to vector<10000x8xf32>
    %add3A = arith.addf %get3A_9, %get3A_14 : vector<10000x8xf32>
    %add3A_15 = arith.addf %add3A, %get3A_1 : vector<10000x8xf32>
    %dot_general3A = arith.constant dense<0.000000e+00> : vector<10000x128xf32>
    %dot_general3A_16 = tpu.matmul %add3A_15, %get3A_4, %dot_general3A {dimension_numbers = #tpu.dot_dimension_numbers<[1], [0], [0], [1], [0, 0, 1, 1], [], []>, transpose_lhs_hint = false} : vector<10000x8xf32>, vector<8x128xf32>, vector<10000x128xf32> -> vector<10000x128xf32>
    %dot_general3A_17 = arith.constant dense<0.000000e+00> : vector<10000x128xf32>
    %dot_general3A_18 = tpu.matmul %get3A_1, %get3A_4, %dot_general3A_17 {dimension_numbers = #tpu.dot_dimension_numbers<[1], [0], [0], [1], [0, 0, 1, 1], [], []>, transpose_lhs_hint = false} : vector<10000x8xf32>, vector<8x128xf32>, vector<10000x128xf32> -> vector<10000x128xf32>
    %get3A_19 = arith.constant 0 : index
    %get3A_20 = arith.constant 0 : index
    %get3A_21 = arith.constant 0 : index
    %get3A_22 = vector.load %arg1[%get3A_19, %get3A_20, %get3A_21] : memref<2x10240x128xf32, #tpu.memory_space<vmem>>, vector<1x10000x128xf32>
    %get3A_23 = vector.shape_cast %get3A_22 : vector<1x10000x128xf32> to vector<10000x128xf32>
    %get3A_24 = arith.constant 1 : index
    %get3A_25 = arith.constant 0 : index
    %get3A_26 = arith.constant 0 : index
    %get3A_27 = vector.load %arg1[%get3A_24, %get3A_25, %get3A_26] : memref<2x10240x128xf32, #tpu.memory_space<vmem>>, vector<1x10000x128xf32>
    %get3A_28 = vector.shape_cast %get3A_27 : vector<1x10000x128xf32> to vector<10000x128xf32>
    %add3A_29 = arith.addf %get3A_23, %get3A_28 : vector<10000x128xf32>
    %get3A_30 = arith.constant 0 : index
    %get3A_31 = arith.constant 0 : index
    %get3A_32 = vector.load %arg4[%get3A_30, %get3A_31] : memref<10000x128xf32, #tpu.memory_space<vmem>>, vector<10000x128xf32>
    %mul3A = arith.mulf %dot_general3A_18, %get3A_32 : vector<10000x128xf32>
    %add3A_33 = arith.addf %add3A_29, %mul3A : vector<10000x128xf32>
    %get3A_34 = arith.constant 0 : index
    %get3A_35 = arith.constant 0 : index
    %get3A_36 = vector.load %arg0[%get3A_34, %get3A_35] : memref<10000x128xf32, #tpu.memory_space<vmem>>, vector<10000x128xf32>
    %add3A_37 = arith.constant 1.000000e-16 : f32
    %add3A_38 = vector.broadcast %add3A_37 : f32 to vector<10000x128xf32>
    %add3A_39 = arith.addf %dot_general3A_16, %add3A_38 : vector<10000x128xf32>
    %div3A = arith.divf %add3A_33, %add3A_39 : vector<10000x128xf32>
    %add3A_40 = arith.addf %get3A_36, %div3A : vector<10000x128xf32>
    %get3A_41 = arith.constant 0 : index
    %get3A_42 = arith.constant 0 : index
    %get3A_43 = vector.load %arg6[%get3A_41, %get3A_42] : memref<1x128xf32, #tpu.memory_space<vmem>>, vector<1x128xf32>
    %add3A_44 = vector.broadcast %get3A_43 : vector<1x128xf32> to vector<10000x128xf32>
    %add3A_45 = arith.addf %add3A_40, %add3A_44 : vector<10000x128xf32>
    %reduce_sum3A = arith.constant dense<0.000000e+00> : vector<128xf32>
    %reduce_sum3A_46 = vector.multi_reduction <add>, %add3A_45, %reduce_sum3A [0] : vector<10000x128xf32> to vector<128xf32>
    %broadcast_in_dim3A = vector.shape_cast %reduce_sum3A_46 : vector<128xf32> to vector<1x128xf32>
    %div3A_47 = arith.constant 1.000000e+04 : f32
    %div3A_48 = vector.broadcast %div3A_47 : f32 to vector<1x128xf32>
    %div3A_49 = arith.divf %broadcast_in_dim3A, %div3A_48 : vector<1x128xf32>
    %mul3A_50 = arith.mulf %add3A_45, %add3A_45 : vector<10000x128xf32>
    %reduce_sum3A_51 = arith.constant dense<0.000000e+00> : vector<128xf32>
    %reduce_sum3A_52 = vector.multi_reduction <add>, %mul3A_50, %reduce_sum3A_51 [0] : vector<10000x128xf32> to vector<128xf32>
    %broadcast_in_dim3A_53 = vector.shape_cast %reduce_sum3A_52 : vector<128xf32> to vector<1x128xf32>
    %div3A_54 = arith.constant 1.000000e+04 : f32
    %div3A_55 = vector.broadcast %div3A_54 : f32 to vector<1x128xf32>
    %div3A_56 = arith.divf %broadcast_in_dim3A_53, %div3A_55 : vector<1x128xf32>
    %mul3A_57 = arith.mulf %div3A_49, %div3A_49 : vector<1x128xf32>
    %sub3A = arith.subf %div3A_56, %mul3A_57 : vector<1x128xf32>
    %sub3A_58 = vector.broadcast %div3A_49 : vector<1x128xf32> to vector<10000x128xf32>
    %sub3A_59 = arith.subf %add3A_45, %sub3A_58 : vector<10000x128xf32>
    %add3A_60 = arith.constant 9.99999974E-6 : f32
    %add3A_61 = vector.broadcast %add3A_60 : f32 to vector<1x128xf32>
    %add3A_62 = arith.addf %sub3A, %add3A_61 : vector<1x128xf32>
    %rsqrt3A = math.rsqrt %add3A_62 : vector<1x128xf32>
    %mul3A_63 = vector.broadcast %rsqrt3A : vector<1x128xf32> to vector<10000x128xf32>
    %mul3A_64 = arith.mulf %sub3A_59, %mul3A_63 : vector<10000x128xf32>
    %get3A_65 = arith.constant 0 : index
    %get3A_66 = arith.constant 0 : index
    %get3A_67 = vector.load %arg7[%get3A_65, %get3A_66] : memref<1x128xf32, #tpu.memory_space<vmem>>, vector<1x128xf32>
    %mul3A_68 = vector.broadcast %get3A_67 : vector<1x128xf32> to vector<10000x128xf32>
    %mul3A_69 = arith.mulf %mul3A_64, %mul3A_68 : vector<10000x128xf32>
    %get3A_70 = arith.constant 0 : index
    %get3A_71 = arith.constant 0 : index
    %get3A_72 = vector.load %arg8[%get3A_70, %get3A_71] : memref<1x128xf32, #tpu.memory_space<vmem>>, vector<1x128xf32>
    %add3A_73 = vector.broadcast %get3A_72 : vector<1x128xf32> to vector<10000x128xf32>
    %add3A_74 = arith.addf %mul3A_69, %add3A_73 : vector<10000x128xf32>
    %max3A = arith.constant 0.000000e+00 : f32
    %max3A_75 = vector.broadcast %max3A : f32 to vector<10000x128xf32>
    %max3A_76 = arith.maximumf %add3A_74, %max3A_75 : vector<10000x128xf32>
    %swap3A = arith.constant 0 : index
    %swap3A_77 = arith.constant 0 : index
    %swap3A_78 = vector.load %arg9[%swap3A, %swap3A_77] : memref<10000x128xf32, #tpu.memory_space<vmem>>, vector<10000x128xf32>
    tpu.vector_store %arg9[%swap3A, %swap3A_77], %max3A_76 {strides = array<i32>} : memref<10000x128xf32, #tpu.memory_space<vmem>>, vector<10000x128xf32>,
    return
  }
}

</mosaic_0001>

<sc_bundles>
// kernel: kernel.5.cloned.1.call-start
scs
__scs_entry_jumppad:
0x0: {  	(pc) =	sbr.rel $0x88, $3  }
0x1: {  	(tag) =	ssettag $0x0;
	lr =	simm.s32 $0x1  }
0x2: {  	[smem:$0x3F98] =	sst lr;
	_ =	strace $0xD0000000  }
0x3: {  	_ = 	snop  }
0x4: {  	_ = 	snop  }
0x5: {  	_ = 	snop  }
0x6: {  	_ = 	snop  }
0x7: {  	_ = 	snop  }
__scs_overlays_trampoline_lowered:
0x8: {  	[smem:$0x3FA7] =	sst s0  }
0x9: {  	[smem:$0x3FA8] =	sst s1  }
0xa: {  	[smem:$0x3FA9] =	sst s2  }
0xb: {  	[smem:$0x3FAA] =	sst s3  }
0xc: {  	[smem:$0x3FAB] =	sst s4  }
0xd: {  	[smem:$0x3FAC] =	sst s5  }
0xe: {  	[smem:$0x3FAD] =	sst s6  }
0xf: {  	[smem:$0x3FAE] =	sst s7  }
0x10: {  	[smem:$0x3FAF] =	sst s8  }
0x11: {  	[smem:$0x3FB0] =	sst s9;
	s0 =	simm.s32 @!p0 $0x0  }
0x12: {  	s1 =	sld [smem:$0x3F96];
	s0 =	simm.s32 @p0 $0x1  }
0x13: {  	[smem:$0x3FB1] =	sst s0;
	s0 =	simm.s32 @!p1 $0x0  }
0x14: {  	s2 =	sld [smem:$0x3F95];
	s0 =	simm.s32 @p1 $0x1  }
0x15: {  	[smem:$0x3FB2] =	sst s0;
	s0 =	simm.s32 @!p2 $0x0  }
0x16: {  	s3 =	sld [smem:$0x3FDB];
	s0 =	simm.s32 @p2 $0x1  }
0x17: {  	s4 =	simm.s32 $0x1BF5;
	[smem:$0x3FB4] =	sst s0  }
0x18: {  	s0 =	sld [smem:$0x3F97];
	_ =	swait.ge [sflag:s4], $0x0  }
0x19: {  	s7 =	sld [smem:$0x3F98]  }
0x1a: {  	s8 =	sadd.s32 $0xFFFFE003, lr  }
0x1b: {  	s9 =	sadd.s32 $0xFFFFFEF7, lr;
	s5 =	simm.s32 $0xFFFFFFFF;
	p2 =	slt.u32 s8, $0xFFFFF086  }
0x1c: {  	p1 =	slt.u32 s9, $0xF7A;
	s5 =	simm.s32 @!p2 $0x0  }
0x1d: {  	s5 =	simm.s32 @p1 $0x1;
	p0 =	seq.s32 s7, s2  }
0x1e: {  	s7 =	smul.u32 @!p0 $0xF7A, s2;
	p2 =	seq.s32 @!p0 s5, $0x0  }
0x1f: {  	s9 =	smul.u32 $0xF7A, s1;
	s8 =	simm.s32 @!p0 $0x1BF5;
	p2 =	por !p2, p0  }
0x20: {  	[sflag:s8] =	ssyncset.s32 @!p0 $0xFFFFF086;
	s6 =	sadd.s32 @!p0 s3, s7;
	s7 =	simm.s32 @!p0 $0x108  }
0x21: {  	s3 =	sadd.s32 s3, s9;
	s6 =	sadd.s32 @!p0 $0x88, s6;
	s7 =	simm.s32 @p2 $0x1082  }
0x22: {  	[simem:s7], [sflag:s8] =	dma.local @!p0 [hbm:s6], $0xF7A  }
0x23: {  	s9 =	sor.u32 $0xD0000000, s2;
	s6 =	simm.s32 $0x108;
	_ =	swait.ge @!p0 [sflag:s8], $0x0  }
0x24: {  	s3 =	sadd.s32 $0x88, s3;
	s6 =	simm.s32 @!p1 $0x1082;
	[sflag:s4] =	ssyncset.s32 $0xFFFFF086  }
0x25: {  	[simem:s6], [sflag:s4] =	dma.local [hbm:s3], $0xF7A  }
0x26: {  	[smem:$0x3F98] =	sst s1;
	(tag) =	ssettag s2;
	_ =	strace s9  }
0x27: {  	s1 =	sld [smem:$0x3FA8]  }
0x28: {  	s2 =	sld [smem:$0x3FA9]  }
0x29: {  	s4 =	sld [smem:$0x3FAB]  }
0x2a: {  	p0 =	seq.s32 s5, $0x0;
	s5 =	sld [smem:$0x3FAC]  }
0x2b: {  	s6 =	sld [smem:$0x3FAD]  }
0x2c: {  	s7 =	sld [smem:$0x3FAE]  }
0x2d: {  	s3 =	simm.s32 $0x108;
	s8 =	sld [smem:$0x3FAF]  }
0x2e: {  	s3 =	simm.s32 @!p0 $0x1082;
	s9 =	sld [smem:$0x3FB0]  }
0x2f: {  	lr =	sadd.s32 s0, s3;
	s0 =	sld [smem:$0x3FA7]  }
0x30: {  	s3 =	sld [smem:$0x3FAA]  }
0x31: {  	[smem:$0x3FB3] =	sst s10  }
0x32: {  	s10 =	sld [smem:$0x3FB1];
	_ =	sdelay $0x3  }
0x33: {  	p0 =	seq.s32 s10, $0x1;
	s10 =	sld [smem:$0x3FB3];
	_ =	sdelay $0x3  }
0x34: {  	[smem:$0x3FB3] =	sst s10  }
0x35: {  	s10 =	sld [smem:$0x3FB2];
	_ =	sdelay $0x3  }
0x36: {  	p1 =	seq.s32 s10, $0x1;
	s10 =	sld [smem:$0x3FB3];
	_ =	sdelay $0x3  }
0x37: {  	[smem:$0x3FB3] =	sst s10  }
0x38: {  	s10 =	sld [smem:$0x3FB4]  }
0x39: {  	_ = 	snop;
	(pc) =	sbr.ind lr, $3  }
0x3a: {  	_ = 	snop  }
0x3b: {  	_ = 	snop  }
0x3c: {  	p2 =	seq.s32 s10, $0x1;
	s10 =	sld [smem:$0x3FB3]  }
0x3d: {  	_ =	shalt  }
0x3e: {  	_ =	shalt  }
0x3f: {  	_ =	shalt  }
0x40: {  	_ =	shalt  }
0x41: {  	_ =	shalt  }
0x42: {  	_ =	shalt  }
0x43: {  	_ =	shalt  }
0x44: {  	_ =	shalt  }
0x45: {  	_ =	shalt  }
0x46: {  	_ =	shalt  }
0x47: {  	_ =	shalt  }
0x48: {  	_ =	shalt  }
0x49: {  	_ =	shalt  }
0x4a: {  	_ =	shalt  }
0x4b: {  	_ =	shalt  }
0x4c: {  	_ =	shalt  }
0x4d: {  	_ =	shalt  }
0x4e: {  	_ =	shalt  }
0x4f: {  	_ =	shalt  }
0x50: {  	_ =	shalt  }
0x51: {  	_ =	shalt  }
0x52: {  	_ =	shalt  }
0x53: {  	_ =	shalt  }
0x54: {  	_ =	shalt  }
0x55: {  	_ =	shalt  }
0x56: {  	_ =	shalt  }
0x57: {  	_ =	shalt  }
0x58: {  	_ =	shalt  }
0x59: {  	_ =	shalt  }
0x5a: {  	_ =	shalt  }
0x5b: {  	_ =	shalt  }
0x5c: {  	_ =	shalt  }
0x5d: {  	_ =	shalt  }
0x5e: {  	_ =	shalt  }
0x5f: {  	_ =	shalt  }
0x60: {  	_ =	shalt  }
0x61: {  	_ =	shalt  }
0x62: {  	_ =	shalt  }
0x63: {  	_ =	shalt  }
0x64: {  	_ =	shalt  }
0x65: {  	_ =	shalt  }
0x66: {  	_ =	shalt  }
0x67: {  	_ =	shalt  }
0x68: {  	_ =	shalt  }
0x69: {  	_ =	shalt  }
0x6a: {  	_ =	shalt  }
0x6b: {  	_ =	shalt  }
0x6c: {  	_ =	shalt  }
0x6d: {  	_ =	shalt  }
0x6e: {  	_ =	shalt  }
0x6f: {  	_ =	shalt  }
0x70: {  	_ =	shalt  }
0x71: {  	_ =	shalt  }
0x72: {  	_ =	shalt  }
0x73: {  	_ =	shalt  }
0x74: {  	_ =	shalt  }
0x75: {  	_ =	shalt  }
0x76: {  	_ =	shalt  }
0x77: {  	_ =	shalt  }
0x78: {  	_ =	shalt  }
0x79: {  	_ =	shalt  }
0x7a: {  	_ =	shalt  }
0x7b: {  	_ =	shalt  }
0x7c: {  	_ =	shalt  }
0x7d: {  	_ =	shalt  }
0x7e: {  	_ =	shalt  }
0x7f: {  	_ =	shalt  }
0x80: {  	_ =	shalt  }
0x81: {  	_ =	shalt  }
0x82: {  	_ =	shalt  }
0x83: {  	_ =	shalt  }
0x84: {  	_ =	shalt  }
0x85: {  	_ =	shalt  }
0x86: {  	_ =	shalt  }
0x87: {  	_ =	shalt  }
.Lfunc_end0:
.L_simem_size_0:
called_computation_lowered:
.L_overlay_start_0:
0x88: {  	s2 =	sld [smem:$0x3FD9]  }
0x89: {  	s3 =	sld [smem:$0x3FFE];
	_ =	sdelay $0x1  }
0x8a: {  	s1 =	srdreg.scid  }
0x8b: {  	s0 =	sand.u32 $0x1, s1  }
0x8c: {  	s17 =	sshll.u32 s0, $0xA;
	s2 =	sadd.s32 s3, s2  }
0x8d: {  	s2 =	sadd.s32 s2, s17  }
0x8e: {  	[smem:$0x3FBF] =	sst s2  }
0x8f: {  	_ = 	snop  }
0x90: {  	s2 =	sld [smem:$0x3FD0];
	(tm) =	ssettm $0x1  }
0x91: {  	s18 =	sld [smem:$0x3FFB];
	_ =	sdelay $0x3  }
0x92: {  	_ =	strace s18  }
0x93: {  	s3 =	sld [smem:$0x3FFC];
	_ =	sdelay $0x3  }
0x94: {  	_ =	strace s3  }
0x95: {  	s3 =	sld [smem:$0x3FFD];
	_ =	sdelay $0x3  }
0x96: {  	_ =	strace s3  }
0x97: {  	_ =	strace $0x8FFFFFFF  }
0x98: {  	s19 =	sld [smem:$0x3FDB];
	_ =	sdelay $0x1  }
0x99: {  	s4 =	simm.s32 $_scs_section_size  }
0x9a: {  	s5 =	simm.s32 $_size__tile_overlayer_lowered;
	s6 =	simm.s32 $_tile_overlayer_lowered  }
0x9b: {  	s22 =	simm.s32 $0x1BFF;
	s21 =	sshll.u32 s6, $0x1;
	s3 =	sadd.s32 s4, s19  }
0x9c: {  	s7 =	simm.s32 $0x0;
	s20 =	sshll.u32 s5, $0x1;
	s5 =	sadd.s32 s21, s3  }
0x9d: {  	[timem:s7], [sflag:s22] =	dma.local [hbm:s5], s20  }
0x9e: {  	_ =	swait.ge [sflag:s22], s20  }
0x9f: {  	s4 =	ssub.s32 $0x0, s20;
	[sflag:s22] =	ssyncset.done $0x0  }
0xa0: {  	[sflag:s22] =	ssyncadd.s32 s4;
	_ =	sdelay $0x1  }
0xa1: {  	s23 =	simm.s32 $0x1B8B  }
0xa2: {  	_ =	swait.ge [sflag:s23], $0x1  }
0xa3: {  	[sflag:s23] =	ssyncset.done $0x0  }
0xa4: {  	s25 =	simm.s32 $0x1B8E;
	s24 =	sld [smem:$0x3FFE];
	[sflag:s23] =	ssyncadd.s32 $0xFFFFFFFF  }
0xa5: {  	s26 =	simm.s32 $execute0_lowered;
	[smem:$0x3FD2] =	sst s25  }
0xa6: {  	s5 =	sshll.u32 s26, $0x1;
	_ =	strace $0x80000046;
	[dreg:$0x1] =	wrdreg $0xFFFFFFFF  }
0xa7: {  	s28 =	simm.s32 $_size_execute0_lowered;
	s3 =	sadd.s32 s3, s5;
	[dreg:$0x0] =	wrdreg $0x0  }
0xa8: {  	s5 =	sshll.u32 s28, $0x1;
	[dreg:$0x2] =	wrdreg s3  }
0xa9: {  	[dreg:$0x3] =	wrdreg s5  }
0xaa: {  	[dreg:$0x4] =	wrdreg $0xC0  }
0xab: {  	_ =	task [dreg:s7], $0x5FFFF  }
0xac: {  	[dreg:$0x1] =	wrdreg $0xFFFFFFFF  }
0xad: {  	[dreg:$0x0] =	wrdreg $0x60  }
0xae: {  	[dreg:$0x2] =	wrdreg s24  }
0xaf: {  	[dreg:$0x3] =	wrdreg s2  }
0xb0: {  	[dreg:$0x4] =	wrdreg $0x7FA00  }
0xb1: {  	[dreg:$0x5] =	wrdreg $0x1BFA00  }
0xb2: {  	[dreg:$0x6] =	wrdreg $0x9  }
0xb3: {  	_ =	task.clear_ibuf [dreg:s7], $0x7FFFF;
	_ =	strace $0x90000046  }
0xb4: {  	s29 =	simm.s32 $0x9;
	_ =	strace $0x80000048  }
0xb5: {  	_ =	swait.ge [sflag:s29], $0x1  }
0xb6: {  	[sflag:s29] =	ssyncadd.s32 $0xFFFFFFFF  }
0xb7: {  	_ =	strace $0x90000048  }
0xb8: {  	_ =	sfence  }
0xb9: {  	s30 =	sld [smem:$0x0];
	_ =	sdelay $0x2  }
0xba: {  	s31 =	sshll.u32 s1, $0xD;
	s1 =	sshrl.u32 s1, $0x2  }
0xbb: {  	s3 =	sand.u32 $0x4000, s31;
	s1 =	sadd.s32 s1, s30  }
0xbc: {  	s0 =	sor.u32 s3, s0;
	s1 =	sshll.u32 s1, $0x11  }
0xbd: {  	s0 =	sor.u32 s1, s0  }
0xbe: {  	s0 =	sadd.s32 $0x8F2B, s0  }
0xbf: {  	[sflag:s0] =	ssyncadd.remote.s32 $0x1  }
0xc0: {  	_ =	sfence.sel $0xFFFF  }
0xc1: {  	[dreg:$0x0] =	wrdreg $0xFFFFFFFF;
	(pc) =	sbr.abs _section_cstart, $3  }
0xc2: {  	[dreg:$0x1] =	wrdreg $0xFFFFFFFF  }
0xc3: {  	_ =	task.clear_ibuf [dreg:s7], $0x2FFFF;
	_ =	strace $0x9FFFFFFF  }
0xc4: {  	(tm) =	ssettm $0x7FFFFFFF  }
0xc5: {  	_ =	shalt  }
tec
execute0_lowered:
.L_overlay_start_1:
0x0: {  	(tag) =	ssettag $0x1  }
0x1: {  	s2 =	rddreg [dreg:$0x0]  }
0x2: {  	s0 =	rddreg [dreg:$0x1];
	s10 =	stileid.u32  }
0x3: {  	s1 =	simm.s32 $0x0;
	s3 =	srdreg.scid;
	s8 =	smul.u32 $0x280, s10  }
0x4: {  	[smem:$0x7FF] =	sst s1;
	s5 =	sand.u32 $0x1, s3;
	s9 =	smul.u32 $0x14000, s10  }
0x5: {  	s6 =	sadd.s32 $0x29800, s2;
	s17 =	sshll.u32 s10, $0x1;
	s10 =	smul.u32 $0x2800, s10  }
0x6: {  	s7 =	sadd.s32 $0x1F800, s2;
	s3 =	ssub.s32 $0x2, s5;
	s16 =	smul.u32 $0x140000, s5  }
0x7: {  	s4 =	sshrl.u32 s3, $0x1;
	s11 =	sadd.s32 $0x80, s8;
	s18 =	sadd.s32 $0x100, s8  }
0x8: {  	s13 =	sadd.s32 $0x180, s8;
	s8 =	sadd.s32 $0x200, s8;
	s3 =	ssub.s32 s3, s4  }
0x9: {  	s4 =	sor.u32 s5, s17;
	s12 =	sshll.u32 s11, $0x7;
	s14 =	sshll.u32 s11, $0x4  }
0xa: {  	s15 =	sshll.u32 s18, $0x7;
	s20 =	sshll.u32 s18, $0x4;
	s21 =	sshll.u32 s13, $0x7  }
0xb: {  	s22 =	sshll.u32 s13, $0x4;
	s19 =	sadd.s32 s9, s16;
	s5 =	smul.u32 $0x28000, s5  }
0xc: {  	s23 =	sshll.u32 s8, $0x7;
	s8 =	sshll.u32 s8, $0x4;
	s11 =	sshrl.u32 s19, $0x3  }
0xd: {  	s25 =	sadd.s32 s16, s12;
	s18 =	sadd.s32 s16, s15;
	s31 =	smul.u32 $0x2710, s4  }
0xe: {  	s4 =	simm.s32 $0x77A0;
	s11 =	sadd.s32 s6, s11;
	s24 =	sadd.s32 s10, s5  }
0xf: {  	s13 =	sshrl.u32 s25, $0x3;
	s17 =	sadd.s32 s5, s14;
	[dreg:$0x5] =	wrdreg s11  }
0x10: {  	s11 =	sshrl.u32 s24, $0x3;
	s13 =	sadd.s32 s6, s13;
	s26 =	sshrl.u32 s17, $0x3  }
0x11: {  	s17 =	sshrl.u32 s18, $0x3;
	s18 =	sadd.s32 s16, s21;
	s16 =	sadd.s32 s16, s23  }
0x12: {  	s24 =	sadd.s32 s5, s20;
	[dreg:$0x6] =	wrdreg s13;
	s17 =	sadd.s32 s6, s17  }
0x13: {  	s19 =	sshrl.u32 s18, $0x3;
	s16 =	sshrl.u32 s16, $0x3;
	s13 =	rddreg [dreg:$0x3]  }
0x14: {  	s11 =	sadd.s32 s7, s11;
	s25 =	sadd.s32 s7, s26;
	[dreg:$0x7] =	wrdreg s17  }
0x15: {  	s26 =	sadd.s32 s5, s22;
	s5 =	sadd.s32 s5, s8;
	[dreg:$0xa] =	wrdreg s11  }
0x16: {  	s18 =	sadd.s32 $0x15800, s2;
	s17 =	sadd.s32 s6, s19;
	[dreg:$0xb] =	wrdreg s25  }
0x17: {  	s6 =	sadd.s32 s6, s16;
	s11 =	rddreg [dreg:$0x2];
	s5 =	sshrl.u32 s5, $0x3  }
0x18: {  	s16 =	sadd.s32 $0xBA00, s2;
	s19 =	sadd.s32 $0x1A800, s2;
	s10 =	sadd.s32 s10, s13  }
0x19: {  	s14 =	sadd.s32 s14, s13;
	s20 =	sadd.s32 s20, s13;
	s28 =	sadd.s32 s22, s13  }
0x1a: {  	s30 =	sadd.s32 s8, s13;
	[dreg:$0x9] =	wrdreg s6;
	s6 =	sshrl.u32 s24, $0x3  }
0x1b: {  	s25 =	smax.u32 s3, $0x1;
	[dreg:$0x8] =	wrdreg s17;
	s6 =	sadd.s32 s7, s6  }
0x1c: {  	s5 =	sadd.s32 s7, s5;
	[dreg:$0xc] =	wrdreg s6;
	s6 =	sshrl.u32 s26, $0x3  }
0x1d: {  	s3 =	simm.s32 $0x4;
	[dreg:$0xe] =	wrdreg s5;
	s6 =	sadd.s32 s7, s6  }
0x1e: {  	s8 =	simm.s32 $0xAA0;
	s17 =	sadd.s32 $0x1C00, s2;
	[dreg:$0xd] =	wrdreg s6  }
0x1f: {  	s12 =	sadd.s32 s12, s11;
	_ =	strace $0x80000047;
	[dreg:$0xf] =	wrdreg s10  }
0x20: {  	s24 =	sadd.s32 s9, s11;
	s15 =	sadd.s32 s15, s11;
	[dreg:$0x10] =	wrdreg s12  }
0x21: {  	s29 =	sadd.s32 s23, s11;
	s2 =	simm.s32 $0x37A0;
	[dreg:$0x11] =	wrdreg s14  }
0x22: {  	v0 =	vlaneseq.u32;
	s9 =	simm.s32 $0x1;
	s5 =	simm.s32 $0x50;
	[dreg:$0x12] =	wrdreg s15  }
0x23: {  	v1 =	vmul.u32 $0xFFFFFFFF, v0;
	s26 =	sadd.s32 s21, s11;
	s7 =	simm.s32 $0x5A0;
	[dreg:$0x13] =	wrdreg s20  }
0x24: {  	s6 =	simm.s32 $0xA0;
	[dreg:$0x14] =	wrdreg s25;
	s10 =	simm.s32 $0x2  }
0x25: {  	vm0 =	vmmov $0xff;
	v0 =	vimm.f32 $0.0e+00;
	v1 =	vadd.s32 $0xF, v1;
	s14 =	simm.s32 $0x3;
	s15 =	simm.s32 $0x32A0;
	s12 =	simm.s32 $0x0  }
.LBB2_1:
0x26: {  	s20 =	simm.s32 $0x37E0  }
0x27: {  	[tilespmem:s20+$0xFFFFFFD0] =	vst v0  }
0x28: {  	[tilespmem:s20+$0xFFFFFFE0] =	vst v0  }
0x29: {  	[tilespmem:s20+$0xFFFFFFF0] =	vst v0  }
0x2a: {  	[tilespmem:s20+$0x0] =	vst v0  }
0x2b: {  	[tilespmem:s20+$0x10] =	vst v0  }
0x2c: {  	[tilespmem:s20+$0x20] =	vst v0  }
0x2d: {  	[tilespmem:s20+$0x30] =	vst v0  }
0x2e: {  	s22 =	simm.s32 $0x0;
	s21 =	simm.s32 $0x40;
	[tilespmem:s20+$0xFFFFFFC0] =	vst v0  }
.LBB2_2:
0x2f: {  	p0 =	sne.s32 s21, $0x1FC0;
	[tilespmem:s22+$0x77A0] =	vst v0;
	s20 =	sadd.s32 $0x80, s20  }
0x30: {  	[tilespmem:s20+$0xFFFFFFD0] =	vst v0  }
0x31: {  	[tilespmem:s20+$0xFFFFFFE0] =	vst v0  }
0x32: {  	[tilespmem:s20+$0xFFFFFFF0] =	vst v0  }
.Ltmp0:
0x33: {  	[tilespmem:s20+$0x0] =	vst v0;
	(pc) =	sbr.rel @p0 .LBB2_2-.Ltmp0, $4  }
0x34: {  	[tilespmem:s20+$0x10] =	vst v0  }
0x35: {  	[tilespmem:s20+$0x20] =	vst v0  }
0x36: {  	[tilespmem:s20+$0x30] =	vst v0  }
0x37: {  	s22 =	sshra.s32 s21, $0x2;
	s21 =	sadd.s32 $0x40, s21;
	[tilespmem:s20+$0xFFFFFFC0] =	vst v0  }
0x38: {  	[tilespmem:s22+$0x77A0] =	vst v0  }
0x39: {  	[spmem:s24] =	stream.linear.scatter [tilespmem:s2], [sflag:$0x4], $0x4000, $0x38;
	[tilespmem:$0x1E7A0] =	vst v63  }
0x3a: {  	_ =	swait.ge [sflag:s3], $0x4000  }
0x3b: {  	[sflag:s3] =	ssyncset.done $0x0  }
0x3c: {  	s20 =	rddreg [dreg:$0xf];
	[sflag:s3] =	ssyncadd.s32 $0xFFFFC000  }
0x3d: {  	[spmem:s20] =	stream.linear.scatter [tilespmem:s4], [sflag:$0x4], $0x800, $0x38;
	[tilespmem:$0x1E7A0] =	vst v63  }
0x3e: {  	_ =	swait.ge [sflag:s3], $0x800  }
0x3f: {  	[sflag:s3] =	ssyncset.done $0x0  }
0x40: {  	s21 =	rddreg [dreg:$0x10];
	[sflag:s3] =	ssyncadd.s32 $0xFFFFF800  }
0x41: {  	[spmem:s21] =	stream.linear.scatter [tilespmem:s2], [sflag:$0x4], $0x4000, $0x38;
	[tilespmem:$0x1E7A0] =	vst v63  }
0x42: {  	_ =	swait.ge [sflag:s3], $0x4000  }
0x43: {  	[sflag:s3] =	ssyncset.done $0x0  }
0x44: {  	s22 =	rddreg [dreg:$0x11];
	[sflag:s3] =	ssyncadd.s32 $0xFFFFC000  }
0x45: {  	[spmem:s22] =	stream.linear.scatter [tilespmem:s4], [sflag:$0x4], $0x800, $0x38;
	[tilespmem:$0x1E7A0] =	vst v63  }
0x46: {  	_ =	swait.ge [sflag:s3], $0x800  }
0x47: {  	[sflag:s3] =	ssyncset.done $0x0  }
0x48: {  	s23 =	rddreg [dreg:$0x12];
	[sflag:s3] =	ssyncadd.s32 $0xFFFFF800  }
0x49: {  	[spmem:s23] =	stream.linear.scatter [tilespmem:s2], [sflag:$0x4], $0x4000, $0x38;
	[tilespmem:$0x1E7A0] =	vst v63  }
0x4a: {  	_ =	swait.ge [sflag:s3], $0x4000  }
0x4b: {  	[sflag:s3] =	ssyncset.done $0x0  }
0x4c: {  	s25 =	smov.u32 s24;
	s24 =	rddreg [dreg:$0x13];
	[sflag:s3] =	ssyncadd.s32 $0xFFFFC000  }
0x4d: {  	[spmem:s24] =	stream.linear.scatter [tilespmem:s4], [sflag:$0x4], $0x800, $0x38;
	[tilespmem:$0x1E7A0] =	vst v63  }
0x4e: {  	_ =	swait.ge [sflag:s3], $0x800  }
0x4f: {  	[sflag:s3] =	ssyncset.done $0x0  }
0x50: {  	[sflag:s3] =	ssyncadd.s32 $0xFFFFF800  }
0x51: {  	[spmem:s26] =	stream.linear.scatter [tilespmem:s2], [sflag:$0x4], $0x4000, $0x38;
	[tilespmem:$0x1E7A0] =	vst v63  }
0x52: {  	_ =	swait.ge [sflag:s3], $0x4000  }
0x53: {  	[sflag:s3] =	ssyncset.done $0x0  }
0x54: {  	[sflag:s3] =	ssyncadd.s32 $0xFFFFC000  }
0x55: {  	[spmem:s28] =	stream.linear.scatter [tilespmem:s4], [sflag:$0x4], $0x800, $0x38;
	[tilespmem:$0x1E7A0] =	vst v63  }
0x56: {  	_ =	swait.ge [sflag:s3], $0x800  }
0x57: {  	[sflag:s3] =	ssyncset.done $0x0  }
0x58: {  	[sflag:s3] =	ssyncadd.s32 $0xFFFFF800  }
0x59: {  	[spmem:s29] =	stream.linear.scatter [tilespmem:s2], [sflag:$0x4], $0x4000, $0x38;
	[tilespmem:$0x1E7A0] =	vst v63  }
0x5a: {  	_ =	swait.ge [sflag:s3], $0x4000  }
0x5b: {  	[sflag:s3] =	ssyncset.done $0x0  }
0x5c: {  	[sflag:s3] =	ssyncadd.s32 $0xFFFFC000  }
0x5d: {  	[spmem:s30] =	stream.linear.scatter [tilespmem:s4], [sflag:$0x4], $0x800, $0x38;
	[tilespmem:$0x1E7A0] =	vst v63  }
0x5e: {  	_ =	swait.ge [sflag:s3], $0x800  }
0x5f: {  	[sflag:s3] =	ssyncset.done $0x0  }
0x60: {  	[sflag:s3] =	ssyncadd.s32 $0xFFFFF800  }
0x61: {  	s20 =	simm.s32 $0x0;
	s21 =	simm.s32 $0x0;
	[bflag:$0x0] =	sbarrier.arrive $0xFFFF  }
.LBB2_4:
0x62: {  	s22 =	smul.u32 $0x50, s21;
	_ =	sdelay $0x1  }
0x63: {  	s22 =	sadd.s32 s31, s22  }
0x64: {  	s22 =	sshrl.u32 s22, $0x3  }
0x65: {  	s23 =	sadd.s32 s16, s22  }
0x66: {  	[tilespmem:s20], [sflag:$0x4] =	stream.linear.gather [hbm4b:s23+s20], $0x50, $0x38;
	[tilespmem:$0x1E7A0] =	vst v63  }
0x67: {  	_ =	swait.ge [sflag:s3], $0x50  }
0x68: {  	[sflag:s3] =	ssyncset.done $0x0  }
0x69: {  	s22 =	sadd.s32 s17, s22;
	[sflag:s3] =	ssyncadd.s32 $0xFFFFFFB0  }
0x6a: {  	[tilespmem:s5], [sflag:$0x4] =	stream.linear.gather [hbm4b:s22+s20], $0x50, $0x38;
	[tilespmem:$0x1E7A0] =	vst v63  }
0x6b: {  	_ =	swait.ge [sflag:s3], $0x50  }
0x6c: {  	[sflag:s3] =	ssyncset.done $0x0  }
0x6d: {  	[sflag:s3] =	ssyncadd.s32 $0xFFFFFFB0  }
0x6e: {  	[tilespmem:s6], [sflag:$0x1] =	stream.indirect.gather [hbm4b:s18+s5], $0x10, s20, s5, $0xb8;
	[tilespmem:$0x1E7A0] =	vst v63  }
0x6f: {  	_ = 	snop  }
0x70: {  	[tilespmem:s7], [sflag:$0x2] =	stream.indirect.gather [hbm4b:s19+s5], $0x10, s5, s5, $0xb8;
	[tilespmem:$0x1E7A0] =	vst v63  }
0x71: {  	_ = 	snop  }
0x72: {  	[tilespmem:s8], [sflag:$0x3] =	stream.indirect.gather [hbm4b:s0+s5], $0x80, s20, s5, $0xb8;
	[tilespmem:$0x1E7A0] =	vst v63  }
0x73: {  	_ =	swait.ge [sflag:s9], $0x500  }
0x74: {  	[sflag:s9] =	ssyncset.done $0x0  }
0x75: {  	[sflag:s9] =	ssyncadd.s32 $0xFFFFFB00  }
0x76: {  	_ =	swait.ge [sflag:s10], $0x500  }
0x77: {  	[sflag:s10] =	ssyncset.done $0x0  }
0x78: {  	[sflag:s10] =	ssyncadd.s32 $0xFFFFFB00  }
0x79: {  	_ =	swait.ge [sflag:s14], $0x2800  }
0x7a: {  	[sflag:s14] =	ssyncset.done $0x0  }
0x7b: {  	s24 =	simm.s32 $0x0;
	[sflag:s14] =	ssyncadd.s32 $0xFFFFD800  }
0x7c: {  	v2 =	vld [tilespmem:s24+$0xA0]  }
0x7d: {  	v3 =	vld [tilespmem:s24+$0x5A0];
	_ =	sdelay $0x4  }
0x7e: {  	v2 =	vadd.f32 v3, v2;
	_ =	sdelay $0x1  }
0x7f: {  	v4 =	vmul.f32 $2.000000030e-01, v2  }
0x80: {  	v3 =	vperm.xlane v3, v1;
	vm1 =	vge.f32 v2, $0.0e+00  }
0x81: {  	v2 =	vsel vm1, v2, v4  }
0x82: {  	v2 =	vsub.f32 v2, v3;
	_ =	sdelay $0x1  }
0x83: {  	v2 =	vmul.f32 $1.442695020e+00, v2;
	_ =	sdelay $0x1  }
0x84: {  	(erf) = vpow2.f32 v2;
	_ =	sdelay $0x8  }
0x85: {  	v2 =	vpop (erf)  }
0x86: {  	v3 =	vnsel vm0, $0x0, v2  }
0x87: {  	s22 =	simm.s32 $0xAE0;
	[tilespmem:s24+$0x32A0] =	vst v3  }
0x88: {  	v3 =	vld [tilespmem:s22+$0x30]  }
0x89: {  	v59 =	vld [tilespmem:s22+$0x20]  }
0x8a: {  	v5 =	vld [tilespmem:s22+$0x10]  }
0x8b: {  	v6 =	vbroadcast v2, $0x7;
	v7 =	vld [tilespmem:s22+$0x0]  }
0x8c: {  	v8 =	vbroadcast v2, $0x6;
	v9 =	vld [tilespmem:s22+$0xFFFFFFF0]  }
0x8d: {  	v10 =	vbroadcast v2, $0x5;
	v12 =	vld [tilespmem:s22+$0xFFFFFFD0];
	v3 =	vmul.f32 v3, v6  }
0x8e: {  	v60 =	vbroadcast v2, $0x4;
	v11 =	vld [tilespmem:s22+$0xFFFFFFE0];
	v4 =	vmul.f32 v59, v8  }
0x8f: {  	v61 =	vbroadcast v2, $0x3;
	v13 =	vld [tilespmem:s22+$0xFFFFFFC0];
	v5 =	vmul.f32 v5, v10;
	[tilespmem:s22+$0x30] =	vst v3  }
0x90: {  	v62 =	vbroadcast v2, $0x1;
	v6 =	vmul.f32 v7, v60;
	[tilespmem:s22+$0x20] =	vst v4  }
0x91: {  	v63 =	vmul.f32 v9, v61;
	v3 =	vbroadcast v2, $0x2;
	[tilespmem:s22+$0x10] =	vst v5  }
0x92: {  	v2 =	vbroadcast v2, $0x0;
	[tilespmem:s22+$0x0] =	vst v6;
	v4 =	vmul.f32 v62, v12  }
0x93: {  	[tilespmem:s22+$0xFFFFFFF0] =	vst v63;
	v3 =	vmul.f32 v3, v11  }
0x94: {  	v2 =	vmul.f32 v2, v13;
	[tilespmem:s22+$0xFFFFFFD0] =	vst v4  }
0x95: {  	[tilespmem:s22+$0xFFFFFFE0] =	vst v3  }
0x96: {  	s24 =	simm.s32 $0x10;
	[tilespmem:s22+$0xFFFFFFC0] =	vst v2  }
0x97: {  	s23 =	simm.s32 $0x80;
	v2 =	vld [tilespmem:s24+$0xA0]  }
.LBB2_5:
0x98: {  	p0 =	sne.s32 s23, $0x13C0;
	v3 =	vld [tilespmem:s24+$0x5A0];
	_ =	sdelay $0x4  }
0x99: {  	v2 =	vadd.f32 v3, v2;
	_ =	sdelay $0x1  }
0x9a: {  	v4 =	vmul.f32 $2.000000030e-01, v2  }
0x9b: {  	v3 =	vperm.xlane v3, v1;
	vm1 =	vge.f32 v2, $0.0e+00  }
0x9c: {  	v2 =	vsel vm1, v2, v4  }
0x9d: {  	v2 =	vsub.f32 v2, v3;
	_ =	sdelay $0x1  }
0x9e: {  	v2 =	vmul.f32 $1.442695020e+00, v2;
	_ =	sdelay $0x1  }
0x9f: {  	(erf) = vpow2.f32 v2;
	_ =	sdelay $0x8  }
0xa0: {  	v2 =	vpop (erf)  }
0xa1: {  	v3 =	vnsel vm0, $0x0, v2;
	v4 =	vbroadcast v2, $0x6;
	v5 =	vbroadcast v2, $0x7  }
0xa2: {  	s22 =	sadd.s32 $0x80, s22;
	v6 =	vbroadcast v2, $0x5;
	[tilespmem:s24+$0x32A0] =	vst v3;
	v3 =	vbroadcast v2, $0x4  }
0xa3: {  	v7 =	vbroadcast v2, $0x2;
	v8 =	vbroadcast v2, $0x3;
	v9 =	vld [tilespmem:s22+$0x30]  }
0xa4: {  	v10 =	vbroadcast v2, $0x0;
	v2 =	vbroadcast v2, $0x1;
	v11 =	vld [tilespmem:s22+$0x20]  }
0xa5: {  	v12 =	vld [tilespmem:s22+$0x10]  }
0xa6: {  	v13 =	vld [tilespmem:s22+$0x0]  }
0xa7: {  	v14 =	vld [tilespmem:s22+$0xFFFFFFF0]  }
0xa8: {  	v15 =	vld [tilespmem:s22+$0xFFFFFFE0];
	v5 =	vmul.f32 v9, v5  }
0xa9: {  	v9 =	vld [tilespmem:s22+$0xFFFFFFD0];
	v4 =	vmul.f32 v11, v4  }
0xaa: {  	v11 =	vld [tilespmem:s22+$0xFFFFFFC0];
	v6 =	vmul.f32 v12, v6;
	[tilespmem:s22+$0x30] =	vst v5  }
0xab: {  	v3 =	vmul.f32 v13, v3;
	[tilespmem:s22+$0x20] =	vst v4  }
0xac: {  	v4 =	vmul.f32 v14, v8;
	[tilespmem:s22+$0x10] =	vst v6  }
0xad: {  	v5 =	vmul.f32 v7, v15;
	[tilespmem:s22+$0x0] =	vst v3  }
.Ltmp1:
0xae: {  	v2 =	vmul.f32 v2, v9;
	[tilespmem:s22+$0xFFFFFFF0] =	vst v4;
	(pc) =	sbr.rel @p0 .LBB2_5-.Ltmp1, $4  }
0xaf: {  	v3 =	vmul.f32 v10, v11;
	[tilespmem:s22+$0xFFFFFFE0] =	vst v5  }
0xb0: {  	[tilespmem:s22+$0xFFFFFFD0] =	vst v2  }
0xb1: {  	s24 =	sshra.s32 s23, $0x2;
	[tilespmem:s22+$0xFFFFFFC0] =	vst v3  }
0xb2: {  	s23 =	sadd.s32 $0x40, s23;
	v2 =	vld [tilespmem:s24+$0xA0]  }
0xb3: {  	v3 =	vld [tilespmem:s24+$0x5A0];
	_ =	sdelay $0x4  }
0xb4: {  	v2 =	vadd.f32 v3, v2;
	_ =	sdelay $0x1  }
0xb5: {  	v4 =	vmul.f32 $2.000000030e-01, v2  }
0xb6: {  	v3 =	vperm.xlane v3, v1;
	vm1 =	vge.f32 v2, $0.0e+00  }
0xb7: {  	v2 =	vsel vm1, v2, v4  }
0xb8: {  	v2 =	vsub.f32 v2, v3;
	_ =	sdelay $0x1  }
0xb9: {  	v2 =	vmul.f32 $1.442695020e+00, v2;
	_ =	sdelay $0x1  }
0xba: {  	(erf) = vpow2.f32 v2;
	_ =	sdelay $0x8  }
0xbb: {  	v2 =	vpop (erf)  }
0xbc: {  	v3 =	vnsel vm0, $0x0, v2  }
0xbd: {  	s22 =	sadd.s32 $0x80, s22;
	[tilespmem:s24+$0x32A0] =	vst v3  }
0xbe: {  	v3 =	vld [tilespmem:s22+$0x30]  }
0xbf: {  	v59 =	vld [tilespmem:s22+$0x20]  }
0xc0: {  	v5 =	vld [tilespmem:s22+$0x10]  }
0xc1: {  	v6 =	vbroadcast v2, $0x7;
	v7 =	vld [tilespmem:s22+$0x0]  }
0xc2: {  	v8 =	vbroadcast v2, $0x6;
	v9 =	vld [tilespmem:s22+$0xFFFFFFF0]  }
0xc3: {  	v10 =	vbroadcast v2, $0x5;
	v12 =	vld [tilespmem:s22+$0xFFFFFFD0];
	v3 =	vmul.f32 v3, v6  }
0xc4: {  	v60 =	vbroadcast v2, $0x4;
	v11 =	vld [tilespmem:s22+$0xFFFFFFE0];
	v4 =	vmul.f32 v59, v8  }
0xc5: {  	v61 =	vbroadcast v2, $0x3;
	v13 =	vld [tilespmem:s22+$0xFFFFFFC0];
	v5 =	vmul.f32 v5, v10;
	[tilespmem:s22+$0x30] =	vst v3  }
0xc6: {  	v62 =	vbroadcast v2, $0x1;
	v6 =	vmul.f32 v7, v60;
	[tilespmem:s22+$0x20] =	vst v4  }
0xc7: {  	v63 =	vmul.f32 v9, v61;
	v3 =	vbroadcast v2, $0x2;
	[tilespmem:s22+$0x10] =	vst v5  }
0xc8: {  	v2 =	vbroadcast v2, $0x0;
	[tilespmem:s22+$0x0] =	vst v6;
	v4 =	vmul.f32 v62, v12  }
0xc9: {  	[tilespmem:s22+$0xFFFFFFF0] =	vst v63;
	v3 =	vmul.f32 v3, v11  }
0xca: {  	v2 =	vmul.f32 v2, v13;
	[tilespmem:s22+$0xFFFFFFD0] =	vst v4  }
0xcb: {  	[tilespmem:s22+$0xFFFFFFE0] =	vst v3  }
0xcc: {  	[tilespmem:s22+$0xFFFFFFC0] =	vst v2  }
0xcd: {  	[spmem:s13] =	stream.indirect.scatter.add.f32 [tilespmem:s15], [sflag:$0x4], $0x10, s5, s5, $0xb8;
	[tilespmem:$0x1E7A0] =	vst v63  }
0xce: {  	s21 =	sadd.s32 $0x1, s21;
	_ =	swait.ge [sflag:s3], $0x500  }
0xcf: {  	p0 =	sne.s32 s21, $0x7D;
	[sflag:s3] =	ssyncset.done $0x0  }
.Ltmp2:
0xd0: {  	[sflag:s3] =	ssyncadd.s32 $0xFFFFFB00;
	(pc) =	sbr.rel @p0 .LBB2_4-.Ltmp2, $4  }
0xd1: {  	[spmem:s11] =	stream.indirect.scatter.add.f32 [tilespmem:s8], [sflag:$0x4], $0x80, s5, s5, $0xb8;
	[tilespmem:$0x1E7A0] =	vst v63  }
0xd2: {  	_ =	swait.ge [sflag:s3], $0x2800  }
0xd3: {  	[sflag:s3] =	ssyncset.done $0x0  }
0xd4: {  	[sflag:s3] =	ssyncadd.s32 $0xFFFFD800  }
0xd5: {  	[bflag:$0x0] =	sbarrier.arrive $0xFFFF  }
0xd6: {  	[tilespmem:s2], [sflag:$0x4] =	stream.linear.gather [spmem:s25], $0x4000, $0x38;
	[tilespmem:$0x1E7A0] =	vst v63  }
0xd7: {  	_ =	swait.ge [sflag:s3], $0x4000  }
0xd8: {  	[sflag:s3] =	ssyncset.done $0x0  }
0xd9: {  	s20 =	rddreg [dreg:$0x5];
	[sflag:s3] =	ssyncadd.s32 $0xFFFFC000  }
0xda: {  	[hbm4b:s20+s1] =	stream.linear.scatter [tilespmem:s2], [sflag:$0x4], $0x4000, $0x38;
	[tilespmem:$0x1E7A0] =	vst v63  }
0xdb: {  	_ =	swait.ge [sflag:s3], $0x4000  }
0xdc: {  	[sflag:s3] =	ssyncset.done $0x0  }
0xdd: {  	s22 =	rddreg [dreg:$0xf];
	[sflag:s3] =	ssyncadd.s32 $0xFFFFC000  }
0xde: {  	[tilespmem:s4], [sflag:$0x4] =	stream.linear.gather [spmem:s22], $0x800, $0x38;
	[tilespmem:$0x1E7A0] =	vst v63  }
0xdf: {  	_ =	swait.ge [sflag:s3], $0x800  }
0xe0: {  	[sflag:s3] =	ssyncset.done $0x0  }
0xe1: {  	s23 =	rddreg [dreg:$0xa];
	[sflag:s3] =	ssyncadd.s32 $0xFFFFF800  }
0xe2: {  	[hbm4b:s23+s1] =	stream.linear.scatter [tilespmem:s4], [sflag:$0x4], $0x800, $0x38;
	[tilespmem:$0x1E7A0] =	vst v63  }
0xe3: {  	_ =	swait.ge [sflag:s3], $0x800  }
0xe4: {  	[sflag:s3] =	ssyncset.done $0x0  }
0xe5: {  	s24 =	smov.u32 s25;
	s25 =	rddreg [dreg:$0x10];
	[sflag:s3] =	ssyncadd.s32 $0xFFFFF800  }
0xe6: {  	[tilespmem:s2], [sflag:$0x4] =	stream.linear.gather [spmem:s25], $0x4000, $0x38;
	[tilespmem:$0x1E7A0] =	vst v63  }
0xe7: {  	_ =	swait.ge [sflag:s3], $0x4000  }
0xe8: {  	[sflag:s3] =	ssyncset.done $0x0  }
0xe9: {  	s21 =	rddreg [dreg:$0x6];
	[sflag:s3] =	ssyncadd.s32 $0xFFFFC000  }
0xea: {  	[hbm4b:s21+s1] =	stream.linear.scatter [tilespmem:s2], [sflag:$0x4], $0x4000, $0x38;
	[tilespmem:$0x1E7A0] =	vst v63  }
0xeb: {  	_ =	swait.ge [sflag:s3], $0x4000  }
0xec: {  	[sflag:s3] =	ssyncset.done $0x0  }
0xed: {  	s22 =	rddreg [dreg:$0x11];
	[sflag:s3] =	ssyncadd.s32 $0xFFFFC000  }
0xee: {  	[tilespmem:s4], [sflag:$0x4] =	stream.linear.gather [spmem:s22], $0x800, $0x38;
	[tilespmem:$0x1E7A0] =	vst v63  }
0xef: {  	_ =	swait.ge [sflag:s3], $0x800  }
0xf0: {  	[sflag:s3] =	ssyncset.done $0x0  }
0xf1: {  	s23 =	rddreg [dreg:$0xb];
	[sflag:s3] =	ssyncadd.s32 $0xFFFFF800  }
0xf2: {  	[hbm4b:s23+s1] =	stream.linear.scatter [tilespmem:s4], [sflag:$0x4], $0x800, $0x38;
	[tilespmem:$0x1E7A0] =	vst v63  }
0xf3: {  	_ =	swait.ge [sflag:s3], $0x800  }
0xf4: {  	[sflag:s3] =	ssyncset.done $0x0  }
0xf5: {  	s25 =	rddreg [dreg:$0x12];
	[sflag:s3] =	ssyncadd.s32 $0xFFFFF800  }
0xf6: {  	[tilespmem:s2], [sflag:$0x4] =	stream.linear.gather [spmem:s25], $0x4000, $0x38;
	[tilespmem:$0x1E7A0] =	vst v63  }
0xf7: {  	_ =	swait.ge [sflag:s3], $0x4000  }
0xf8: {  	[sflag:s3] =	ssyncset.done $0x0  }
0xf9: {  	s21 =	rddreg [dreg:$0x7];
	[sflag:s3] =	ssyncadd.s32 $0xFFFFC000  }
0xfa: {  	[hbm4b:s21+s1] =	stream.linear.scatter [tilespmem:s2], [sflag:$0x4], $0x4000, $0x38;
	[tilespmem:$0x1E7A0] =	vst v63  }
0xfb: {  	_ =	swait.ge [sflag:s3], $0x4000  }
0xfc: {  	[sflag:s3] =	ssyncset.done $0x0  }
0xfd: {  	s22 =	rddreg [dreg:$0x13];
	[sflag:s3] =	ssyncadd.s32 $0xFFFFC000  }
0xfe: {  	[tilespmem:s4], [sflag:$0x4] =	stream.linear.gather [spmem:s22], $0x800, $0x38;
	[tilespmem:$0x1E7A0] =	vst v63  }
0xff: {  	_ =	swait.ge [sflag:s3], $0x800  }
0x100: {  	[sflag:s3] =	ssyncset.done $0x0  }
0x101: {  	s23 =	rddreg [dreg:$0xc];
	[sflag:s3] =	ssyncadd.s32 $0xFFFFF800  }
0x102: {  	[hbm4b:s23+s1] =	stream.linear.scatter [tilespmem:s4], [sflag:$0x4], $0x800, $0x38;
	[tilespmem:$0x1E7A0] =	vst v63  }
0x103: {  	_ =	swait.ge [sflag:s3], $0x800  }
0x104: {  	[sflag:s3] =	ssyncset.done $0x0  }
0x105: {  	[sflag:s3] =	ssyncadd.s32 $0xFFFFF800  }
0x106: {  	[tilespmem:s2], [sflag:$0x4] =	stream.linear.gather [spmem:s26], $0x4000, $0x38;
	[tilespmem:$0x1E7A0] =	vst v63  }
0x107: {  	_ =	swait.ge [sflag:s3], $0x4000  }
0x108: {  	[sflag:s3] =	ssyncset.done $0x0  }
0x109: {  	s25 =	rddreg [dreg:$0x8];
	[sflag:s3] =	ssyncadd.s32 $0xFFFFC000  }
0x10a: {  	[hbm4b:s25+s1] =	stream.linear.scatter [tilespmem:s2], [sflag:$0x4], $0x4000, $0x38;
	[tilespmem:$0x1E7A0] =	vst v63  }
0x10b: {  	_ =	swait.ge [sflag:s3], $0x4000  }
0x10c: {  	[sflag:s3] =	ssyncset.done $0x0  }
0x10d: {  	[sflag:s3] =	ssyncadd.s32 $0xFFFFC000  }
0x10e: {  	[tilespmem:s4], [sflag:$0x4] =	stream.linear.gather [spmem:s28], $0x800, $0x38;
	[tilespmem:$0x1E7A0] =	vst v63  }
0x10f: {  	_ =	swait.ge [sflag:s3], $0x800  }
0x110: {  	[sflag:s3] =	ssyncset.done $0x0  }
0x111: {  	s21 =	rddreg [dreg:$0xd];
	[sflag:s3] =	ssyncadd.s32 $0xFFFFF800  }
0x112: {  	[hbm4b:s21+s1] =	stream.linear.scatter [tilespmem:s4], [sflag:$0x4], $0x800, $0x38;
	[tilespmem:$0x1E7A0] =	vst v63  }
0x113: {  	_ =	swait.ge [sflag:s3], $0x800  }
0x114: {  	[sflag:s3] =	ssyncset.done $0x0  }
0x115: {  	[sflag:s3] =	ssyncadd.s32 $0xFFFFF800  }
0x116: {  	[tilespmem:s2], [sflag:$0x4] =	stream.linear.gather [spmem:s29], $0x4000, $0x38;
	[tilespmem:$0x1E7A0] =	vst v63  }
0x117: {  	_ =	swait.ge [sflag:s3], $0x4000  }
0x118: {  	[sflag:s3] =	ssyncset.done $0x0  }
0x119: {  	s22 =	rddreg [dreg:$0x9];
	[sflag:s3] =	ssyncadd.s32 $0xFFFFC000  }
0x11a: {  	[hbm4b:s22+s1] =	stream.linear.scatter [tilespmem:s2], [sflag:$0x4], $0x4000, $0x38;
	[tilespmem:$0x1E7A0] =	vst v63  }
0x11b: {  	_ =	swait.ge [sflag:s3], $0x4000  }
0x11c: {  	[sflag:s3] =	ssyncset.done $0x0  }
0x11d: {  	[sflag:s3] =	ssyncadd.s32 $0xFFFFC000  }
0x11e: {  	[tilespmem:s4], [sflag:$0x4] =	stream.linear.gather [spmem:s30], $0x800, $0x38;
	[tilespmem:$0x1E7A0] =	vst v63  }
0x11f: {  	_ =	swait.ge [sflag:s3], $0x800  }
0x120: {  	[sflag:s3] =	ssyncset.done $0x0  }
0x121: {  	s23 =	rddreg [dreg:$0xe];
	[sflag:s3] =	ssyncadd.s32 $0xFFFFF800  }
0x122: {  	[hbm4b:s23+s1] =	stream.linear.scatter [tilespmem:s4], [sflag:$0x4], $0x800, $0x38;
	[tilespmem:$0x1E7A0] =	vst v63  }
0x123: {  	_ =	swait.ge [sflag:s3], $0x800  }
0x124: {  	s12 =	sadd.s32 $0x1, s12;
	s25 =	rddreg [dreg:$0x14]  }
0x125: {  	p0 =	sne.s32 s12, s25  }
.Ltmp3:
0x126: {  	_ = 	snop;
	(pc) =	sbr.rel @p0 .LBB2_1-.Ltmp3, $3  }
0x127: {  	_ =	sdelay $0x1  }
0x128: {  	[sflag:s3] =	ssyncset.done $0x0  }
0x129: {  	[sflag:s3] =	ssyncadd.s32 $0xFFFFF800  }
0x12a: {  	_ =	sfence.sel $0x180000  }
0x12b: {  	[bflag:$0x0] =	sbarrier.arrive $0xFFFF  }
0x12c: {  	_ =	strace $0x90000047  }
0x12d: {  	s0 =	stileid.u32;
	[bflag:$0x2] =	sbarrier.arrive $0xFFFF  }
0x12e: {  	p0 =	sne.s32 s0, $0x0;
	s0 =	rddreg [dreg:$0x4]  }
0x12f: {  	s0 =	sadd.s32 @!p0 $0x100000, s0  }
0x130: {  	[sflag:s0] =	ssyncadd.tile.s32 @!p0 $0x1;
	_ =	shalt  }
.Lfunc_end2:
_tile_overlayer_lowered:
.L_overlay_start_2:
0x131: {  	(tag) =	ssettag $0x2  }
0x132: {  	s0 =	rddreg [dreg:$0x0];
	s2 =	stileid.u32  }
0x133: {  	s1 =	rddreg [dreg:$0x1];
	p0 =	sne.s32 s2, $0x0  }
0x134: {  	s3 =	rddreg [dreg:$0x2];
	[bflag:$0x3] =	sbarrier.arrive $0xFFFF;
	s2 =	simm.s32 @!p0 $0x1C04  }
0x135: {  	[timem:s3], [sflag:s2] =	dma.local @!p0 [hbm:s0], s1  }
0x136: {  	s0 =	simm.s32 @!p0 $0x4  }
0x137: {  	_ =	swait.ge @!p0 [sflag:s0], s1  }
0x138: {  	s1 =	ssub.s32 @!p0 $0x0, s1;
	[sflag:s0] =	ssyncset.done @!p0 $0x0  }
0x139: {  	[sflag:s0] =	ssyncadd.s32 @!p0 s1  }
0x13a: {  	[bflag:$0x3] =	sbarrier.arrive $0xFFFF  }
0x13b: {  	_ =	shalt  }

</sc_bundles>
